<compile_context>
chip_gen: v7x
topology: tpu7x:2x2x1
jax: 0.10.2.dev20260603
libtpu: 0.0.44.dev20260713+nightly
codegen_flags: <defaults>
</compile_context>

<pallas_src>
import functools

import jax
import jax.numpy as jnp
from jax import lax
from jax.experimental import pallas as pl
from jax.experimental.pallas import tpu as pltpu
from jax.experimental.pallas import tpu_sc as plsc

L = 16


@functools.partial(jax.jit, static_argnums=(3, 4, 5, 6))
def _sc_gather(tab, idx1, idx2p, A, V, D, M):
    N = idx1.shape[0]
    D2 = idx2p.shape[0]
    NC, NS = 2, 16
    NW = NC * NS
    U = A * M
    KMAX = -(-U // NW)
    QL = N // 4
    RW = 12800
    NRW = -(-V // RW)

    mesh = plsc.VectorSubcoreMesh(core_axis_name="c", subcore_axis_name="s")

    def body(tab_hbm, idx1_hbm, idx2_hbm, out_hbm,
             row_v, idx_v, o0_v, o1_v, idx2_v, sem0, sem1, semr):
        wid = lax.axis_index("s") * NC + lax.axis_index("c")
        pltpu.sync_copy(idx1_hbm, idx_v)
        pltpu.sync_copy(idx2_hbm, idx2_v)
        obufs = (o0_v, o1_v)
        sems = (sem0, sem1)

        def unit_body(k, carry):
            u = wid + k * NW

            @pl.when(u < U)
            def _():
                a = u // M
                m = u - a * M
                acc = jnp.zeros((L,), jnp.int32)
                for c in range(D2 // L):
                    lid = c * L + lax.iota(jnp.int32, L)
                    ch = idx2_v[pl.ds(c * L, L)]
                    acc = jnp.where(lid == m, ch, acc)
                col = jnp.max(acc)
                r = a * D + col
                rdescs = []
                for w in range(NRW):
                    w0 = w * RW
                    wl = min(RW, V - w0)
                    rdescs.append(pltpu.async_copy(
                        tab_hbm.at[pl.ds(r, 1), pl.ds(w0, wl)],
                        row_v.at[:, pl.ds(w0, wl)], semr))
                for d in rdescs:
                    d.wait()

                zeros = jnp.zeros((L,), jnp.int32)
                descs = [None, None]
                for q in range(4):
                    b = q % 2
                    ob = obufs[b]
                    if q >= 2:
                        descs[b].wait()
                    q0 = q * QL

                    @plsc.parallel_loop(0, QL // L, unroll=4)
                    def _gather(g, _ob=ob, _q0=q0):
                        iv = idx_v[pl.ds(_q0 + g * L, L)]
                        v = plsc.load_gather(row_v, [zeros, iv])
                        _ob[0, 0, pl.ds(g * L, L)] = v

                    descs[b] = pltpu.async_copy(
                        ob,
                        out_hbm.at[pl.ds(m, 1), pl.ds(a, 1), pl.ds(q0, QL)],
                        sems[b])
                descs[0].wait()
                descs[1].wait()
            return carry
        lax.fori_loop(0, KMAX, unit_body, 0)

    run = pl.kernel(
        body,
        out_type=jax.ShapeDtypeStruct((M, A, N), jnp.float32),
        mesh=mesh,
        compiler_params=pltpu.CompilerParams(needs_layout_passes=False),
        scratch_types=[
            pltpu.VMEM((1, V), jnp.float32),
            pltpu.VMEM((N,), jnp.int32),
            pltpu.VMEM((1, 1, QL), jnp.float32),
            pltpu.VMEM((1, 1, QL), jnp.float32),
            pltpu.VMEM((D2,), jnp.int32),
            pltpu.SemaphoreType.DMA,
            pltpu.SemaphoreType.DMA,
            pltpu.SemaphoreType.DMA,
        ],
    )
    return run(tab, idx1, idx2p)


def kernel(x, index1, index2):
    A, V, D = x.shape
    N = index1.shape[0]
    M = index2.shape[0]
    tab = x.transpose(0, 2, 1).reshape(A * D, V)
    idx1 = index1.reshape(N).astype(jnp.int32)
    pad = (-M) % L
    idx2p = jnp.concatenate(
        [index2.astype(jnp.int32), jnp.zeros((pad,), jnp.int32)])
    outP = _sc_gather(tab, idx1, idx2p, A, V, D, M)
    return outP.transpose(1, 2, 0)

# --- scband reference (transcript-rebuilt; emitter-appended) ---
"""Pipeline reference for scband-index-tensor-multi-input-contiguous-one-dim-dynamic-86492051407090 (READ-ONLY COPY).

The authoritative reference and input builder live on the scoring server;
editing this copy changes nothing except your own understanding.
"""

import jax, jax.numpy as jnp
import numpy as np

def setup_inputs(seed: int = 0) -> dict:
    key = jax.random.key(seed)
    k1, k2, k3 = jax.random.split(key, 3)
    x = jax.random.normal(k1, (4, 100000, 64), dtype=jnp.float32)
    index1 = jax.random.randint(k2, (16384, 1), 0, 100000, dtype=jnp.int64)
    index2 = jax.random.randint(k3, (50,), 0, 64, dtype=jnp.int64)
    return {"x": x, "index1": index1, "index2": index2}

def reference(x, index1, index2):
    # torch.ops.aten.index(x, (None, index1, index2))
    # Advanced indexing on dims 1 and 2 (contiguous), slice on dim 0.
    # index1: [N,1], index2: [M] broadcast to [N,M]; result: [A, N, M].
    return x[:, index1, index2]

if __name__ == "__main__":
    import jax
    _d = setup_inputs()
    print(jax.jit(kernel)(*tuple(_d.values())))

</pallas_src>

<mosaic_0001>
#map = affine_map<(d0, d1) -> (0, 0)>
#map1 = affine_map<(d0, d1) -> (0)>
#map2 = affine_map<(d0, d1) -> (0, 0, 0)>
module attributes {stable_mosaic.version = 14 : i64} {
  func.func @body(%arg0: i32, %arg1: i32, %arg2: memref<256x100000xf32, #tpu.memory_space<hbm>>, %arg3: memref<16384xi32, #tpu.memory_space<hbm>>, %arg4: memref<64xi32, #tpu.memory_space<hbm>>, %arg5: memref<50x4x16384xf32, #tpu.memory_space<hbm>>, %arg6: memref<1x100000xf32, #tpu.memory_space<vmem>>, %arg7: memref<16384xi32, #tpu.memory_space<vmem>>, %arg8: memref<1x1x4096xf32, #tpu.memory_space<vmem>>, %arg9: memref<1x1x4096xf32, #tpu.memory_space<vmem>>, %arg10: memref<64xi32, #tpu.memory_space<vmem>>, %arg11: memref<!tpu.dma_semaphore, #tpu.memory_space<semaphore_mem>>, %arg12: memref<!tpu.dma_semaphore, #tpu.memory_space<semaphore_mem>>, %arg13: memref<!tpu.dma_semaphore, #tpu.memory_space<semaphore_mem>>) attributes {dimension_semantics = [#tpu.dimension_semantics<core_parallel>, #tpu.dimension_semantics<subcore_parallel>], iteration_bounds = array<i64: 2, 16>, scalar_prefetch = 0 : i64, scratch_operands = 8 : i64, tpu.core_type = #tpu.core_type<sc_vector_subcore>, window_params = [{transform_indices = #map}, {transform_indices = #map1}, {transform_indices = #map1}, {transform_indices = #map2}]} {
    %mul3A = arith.constant 2 : i32
    %mul3A_0 = arith.muli %arg1, %mul3A : i32
    %add3A = arith.addi %mul3A_0, %arg0 : i32
    "tpu.region"() ({
      %run_scoped3A = tpu.sem_alloc : memref<!tpu.dma_semaphore, #tpu.memory_space<semaphore_mem>>
      tpu.enqueue_dma source(%arg3 : memref<16384xi32, #tpu.memory_space<hbm>>) target(%arg7 : memref<16384xi32, #tpu.memory_space<vmem>>) target_semaphore(%run_scoped3A : memref<!tpu.dma_semaphore, #tpu.memory_space<semaphore_mem>>)
      tpu.wait_dma2 semaphore(%run_scoped3A : memref<!tpu.dma_semaphore, #tpu.memory_space<semaphore_mem>>) src(%arg3 : memref<16384xi32, #tpu.memory_space<hbm>>) dst(%arg7 : memref<16384xi32, #tpu.memory_space<vmem>>)
      tpu.yield
    }) : () -> ()
    "tpu.region"() ({
      %run_scoped3A = tpu.sem_alloc : memref<!tpu.dma_semaphore, #tpu.memory_space<semaphore_mem>>
      tpu.enqueue_dma source(%arg4 : memref<64xi32, #tpu.memory_space<hbm>>) target(%arg10 : memref<64xi32, #tpu.memory_space<vmem>>) target_semaphore(%run_scoped3A : memref<!tpu.dma_semaphore, #tpu.memory_space<semaphore_mem>>)
      tpu.wait_dma2 semaphore(%run_scoped3A : memref<!tpu.dma_semaphore, #tpu.memory_space<semaphore_mem>>) src(%arg4 : memref<64xi32, #tpu.memory_space<hbm>>) dst(%arg10 : memref<64xi32, #tpu.memory_space<vmem>>)
      tpu.yield
    }) : () -> ()
    %scan3A = arith.constant 0 : i32
    %scan3A_1 = arith.constant 0 : i32
    %scan3A_2 = arith.constant 7 : i32
    %scan3A_3 = arith.addi %scan3A_1, %scan3A_2 : i32
    %scan3A_4 = arith.constant 1 : i32
    scf.for %scan3A_6 = %scan3A_1 to %scan3A_3 step %scan3A_4  : i32 {
      %mul3A_7 = arith.constant 32 : i32
      %mul3A_8 = arith.muli %scan3A_6, %mul3A_7 : i32
      %add3A_9 = arith.addi %add3A, %mul3A_8 : i32
      %lt3A = arith.constant 200 : i32
      %lt3A_10 = arith.cmpi slt, %add3A_9, %lt3A : i32
      %convert_element_type3A = arith.extui %lt3A_10 : i1 to i32
      %cond3A = arith.constant 0 : i32
      %cond3A_11 = arith.cmpi ne, %convert_element_type3A, %cond3A : i32
      scf.if %cond3A_11 {
        %jit3A = arith.constant 50 : i32
        %div3A = arith.divsi %add3A_9, %jit3A : i32
        %sign3A = arith.constant 0 : i32
        %sign3A_12 = arith.cmpi sgt, %add3A_9, %sign3A : i32
        %sign3A_13 = arith.extui %sign3A_12 : i1 to i32
        %sign3A_14 = arith.constant 0 : i32
        %sign3A_15 = arith.cmpi slt, %add3A_9, %sign3A_14 : i32
        %sign3A_16 = arith.extui %sign3A_15 : i1 to i32
        %sign3A_17 = arith.subi %sign3A_13, %sign3A_16 : i32
        %sign3A_18 = arith.constant 0 : i32
        %sign3A_19 = arith.cmpi sgt, %jit3A, %sign3A_18 : i32
        %sign3A_20 = arith.extui %sign3A_19 : i1 to i32
        %sign3A_21 = arith.constant 0 : i32
        %sign3A_22 = arith.cmpi slt, %jit3A, %sign3A_21 : i32
        %sign3A_23 = arith.extui %sign3A_22 : i1 to i32
        %sign3A_24 = arith.subi %sign3A_20, %sign3A_23 : i32
        %ne3A = arith.cmpi ne, %sign3A_17, %sign3A_24 : i32
        %rem3A = arith.remsi %add3A_9, %jit3A : i32
        %ne3A_25 = arith.constant 0 : i32
        %ne3A_26 = arith.cmpi ne, %rem3A, %ne3A_25 : i32
        %and3A = arith.andi %ne3A, %ne3A_26 : i1
        %sub3A = arith.constant 1 : i32
        %sub3A_27 = arith.subi %div3A, %sub3A : i32
        %select_n3A = arith.select %and3A, %sub3A_27, %div3A : i32
        %mul3A_28 = arith.constant 50 : i32
        %mul3A_29 = arith.muli %select_n3A, %mul3A_28 : i32
        %sub3A_30 = arith.subi %add3A_9, %mul3A_29 : i32
        %broadcast_in_dim3A = arith.constant 0 : i32
        %broadcast_in_dim3A_31 = vector.broadcast %broadcast_in_dim3A : i32 to vector<16xi32>
        %iota3A = tpu.iota {dimensions = array<i32: 0>} : vector<16xi32>
        %add3A_32 = arith.constant 0 : i32
        %add3A_33 = vector.broadcast %add3A_32 : i32 to vector<16xi32>
        %add3A_34 = arith.addi %add3A_33, %iota3A : vector<16xi32>
        %get3A = arith.constant 0 : index
        %get3A_35 = tpu.vector_load %arg10[%get3A] {strides = array<i32>} : memref<64xi32, #tpu.memory_space<vmem>>, vector<16xi32>,
        %eq3A = vector.broadcast %sub3A_30 : i32 to vector<16xi32>
        %eq3A_36 = arith.cmpi eq, %add3A_34, %eq3A : vector<16xi32>
        %select_n3A_37 = arith.select %eq3A_36, %get3A_35, %broadcast_in_dim3A_31 : vector<16xi1>, vector<16xi32>
        %iota3A_38 = tpu.iota {dimensions = array<i32: 0>} : vector<16xi32>
        %add3A_39 = arith.constant 16 : i32
        %add3A_40 = vector.broadcast %add3A_39 : i32 to vector<16xi32>
        %add3A_41 = arith.addi %add3A_40, %iota3A_38 : vector<16xi32>
        %get3A_42 = arith.constant 16 : index
        %get3A_43 = tpu.vector_load %arg10[%get3A_42] {strides = array<i32>} : memref<64xi32, #tpu.memory_space<vmem>>, vector<16xi32>,
        %eq3A_44 = vector.broadcast %sub3A_30 : i32 to vector<16xi32>
        %eq3A_45 = arith.cmpi eq, %add3A_41, %eq3A_44 : vector<16xi32>
        %select_n3A_46 = arith.select %eq3A_45, %get3A_43, %select_n3A_37 : vector<16xi1>, vector<16xi32>
        %iota3A_47 = tpu.iota {dimensions = array<i32: 0>} : vector<16xi32>
        %add3A_48 = arith.constant 32 : i32
        %add3A_49 = vector.broadcast %add3A_48 : i32 to vector<16xi32>
        %add3A_50 = arith.addi %add3A_49, %iota3A_47 : vector<16xi32>
        %get3A_51 = arith.constant 32 : index
        %get3A_52 = tpu.vector_load %arg10[%get3A_51] {strides = array<i32>} : memref<64xi32, #tpu.memory_space<vmem>>, vector<16xi32>,
        %eq3A_53 = vector.broadcast %sub3A_30 : i32 to vector<16xi32>
        %eq3A_54 = arith.cmpi eq, %add3A_50, %eq3A_53 : vector<16xi32>
        %select_n3A_55 = arith.select %eq3A_54, %get3A_52, %select_n3A_46 : vector<16xi1>, vector<16xi32>
        %iota3A_56 = tpu.iota {dimensions = array<i32: 0>} : vector<16xi32>
        %add3A_57 = arith.constant 48 : i32
        %add3A_58 = vector.broadcast %add3A_57 : i32 to vector<16xi32>
        %add3A_59 = arith.addi %add3A_58, %iota3A_56 : vector<16xi32>
        %get3A_60 = arith.constant 48 : index
        %get3A_61 = tpu.vector_load %arg10[%get3A_60] {strides = array<i32>} : memref<64xi32, #tpu.memory_space<vmem>>, vector<16xi32>,
        %eq3A_62 = vector.broadcast %sub3A_30 : i32 to vector<16xi32>
        %eq3A_63 = arith.cmpi eq, %add3A_59, %eq3A_62 : vector<16xi32>
        %select_n3A_64 = arith.select %eq3A_63, %get3A_61, %select_n3A_55 : vector<16xi1>, vector<16xi32>
        %reduce_max3A = arith.constant true
        %reduce_max3A_65 = vector.broadcast %reduce_max3A : i1 to vector<16xi1>
        %reduce_max3A_66 = arith.constant -2147483648 : i32
        %reduce_max3A_67 = vector.broadcast %reduce_max3A_66 : i32 to vector<16xi32>
        %reduce_max3A_68 = arith.xori %select_n3A_64, %reduce_max3A_67 : vector<16xi32>
        %reduce_max3A_69 = tpu.scan <max>, %reduce_max3A_68 masked %reduce_max3A_65 : vector<16xi32>, vector<16xi1> -> vector<16xi32>
        %reduce_max3A_70 = arith.xori %reduce_max3A_69, %reduce_max3A_67 : vector<16xi32>
        %reduce_max3A_71 = vector.extract %reduce_max3A_70[15] : i32 from vector<16xi32>
        %mul3A_72 = arith.constant 64 : i32
        %mul3A_73 = arith.muli %select_n3A, %mul3A_72 : i32
        %add3A_74 = arith.addi %mul3A_73, %reduce_max3A_71 : i32
        %dma_start3A = arith.constant 0 : i32
        %dma_start3A_75 = arith.constant 0 : i32
        %dma_start3A_76 = tpu.memref_slice %arg6[%dma_start3A, %dma_start3A_75] : memref<1x100000xf32, #tpu.memory_space<vmem>> -> memref<1x12800xf32, #tpu.memory_space<vmem>>
        %dma_start3A_77 = arith.constant 0 : i32
        %dma_start3A_78 = tpu.memref_slice %arg2[%add3A_74, %dma_start3A_77] : memref<256x100000xf32, #tpu.memory_space<hbm>> -> memref<1x12800xf32, #tpu.memory_space<hbm>>
        %dma_start3A_79 = arith.constant 0 : i32
        %dma_start3A_80 = arith.constant 0 : i32
        %dma_start3A_81 = tpu.memref_slice %arg6[%dma_start3A_79, %dma_start3A_80] : memref<1x100000xf32, #tpu.memory_space<vmem>> -> memref<1x12800xf32, #tpu.memory_space<vmem>>
        %dma_start3A_82 = arith.constant 0 : i32
        %dma_start3A_83 = tpu.memref_slice %arg2[%add3A_74, %dma_start3A_82] : memref<256x100000xf32, #tpu.memory_space<hbm>> -> memref<1x12800xf32, #tpu.memory_space<hbm>>
        tpu.enqueue_dma source(%dma_start3A_83 : memref<1x12800xf32, #tpu.memory_space<hbm>>) target(%dma_start3A_81 : memref<1x12800xf32, #tpu.memory_space<vmem>>) target_semaphore(%arg13 : memref<!tpu.dma_semaphore, #tpu.memory_space<semaphore_mem>>)
        %dma_start3A_84 = arith.constant 0 : i32
        %dma_start3A_85 = arith.constant 12800 : i32
        %dma_start3A_86 = tpu.memref_slice %arg6[%dma_start3A_84, %dma_start3A_85] : memref<1x100000xf32, #tpu.memory_space<vmem>> -> memref<1x12800xf32, #tpu.memory_space<vmem>>
        %dma_start3A_87 = arith.constant 12800 : i32
        %dma_start3A_88 = tpu.memref_slice %arg2[%add3A_74, %dma_start3A_87] : memref<256x100000xf32, #tpu.memory_space<hbm>> -> memref<1x12800xf32, #tpu.memory_space<hbm>>
        %dma_start3A_89 = arith.constant 0 : i32
        %dma_start3A_90 = arith.constant 12800 : i32
        %dma_start3A_91 = tpu.memref_slice %arg6[%dma_start3A_89, %dma_start3A_90] : memref<1x100000xf32, #tpu.memory_space<vmem>> -> memref<1x12800xf32, #tpu.memory_space<vmem>>
        %dma_start3A_92 = arith.constant 12800 : i32
        %dma_start3A_93 = tpu.memref_slice %arg2[%add3A_74, %dma_start3A_92] : memref<256x100000xf32, #tpu.memory_space<hbm>> -> memref<1x12800xf32, #tpu.memory_space<hbm>>
        tpu.enqueue_dma source(%dma_start3A_93 : memref<1x12800xf32, #tpu.memory_space<hbm>>) target(%dma_start3A_91 : memref<1x12800xf32, #tpu.memory_space<vmem>>) target_semaphore(%arg13 : memref<!tpu.dma_semaphore, #tpu.memory_space<semaphore_mem>>)
        %dma_start3A_94 = arith.constant 0 : i32
        %dma_start3A_95 = arith.constant 25600 : i32
        %dma_start3A_96 = tpu.memref_slice %arg6[%dma_start3A_94, %dma_start3A_95] : memref<1x100000xf32, #tpu.memory_space<vmem>> -> memref<1x12800xf32, #tpu.memory_space<vmem>>
        %dma_start3A_97 = arith.constant 25600 : i32
        %dma_start3A_98 = tpu.memref_slice %arg2[%add3A_74, %dma_start3A_97] : memref<256x100000xf32, #tpu.memory_space<hbm>> -> memref<1x12800xf32, #tpu.memory_space<hbm>>
        %dma_start3A_99 = arith.constant 0 : i32
        %dma_start3A_100 = arith.constant 25600 : i32
        %dma_start3A_101 = tpu.memref_slice %arg6[%dma_start3A_99, %dma_start3A_100] : memref<1x100000xf32, #tpu.memory_space<vmem>> -> memref<1x12800xf32, #tpu.memory_space<vmem>>
        %dma_start3A_102 = arith.constant 25600 : i32
        %dma_start3A_103 = tpu.memref_slice %arg2[%add3A_74, %dma_start3A_102] : memref<256x100000xf32, #tpu.memory_space<hbm>> -> memref<1x12800xf32, #tpu.memory_space<hbm>>
        tpu.enqueue_dma source(%dma_start3A_103 : memref<1x12800xf32, #tpu.memory_space<hbm>>) target(%dma_start3A_101 : memref<1x12800xf32, #tpu.memory_space<vmem>>) target_semaphore(%arg13 : memref<!tpu.dma_semaphore, #tpu.memory_space<semaphore_mem>>)
        %dma_start3A_104 = arith.constant 0 : i32
        %dma_start3A_105 = arith.constant 38400 : i32
        %dma_start3A_106 = tpu.memref_slice %arg6[%dma_start3A_104, %dma_start3A_105] : memref<1x100000xf32, #tpu.memory_space<vmem>> -> memref<1x12800xf32, #tpu.memory_space<vmem>>
        %dma_start3A_107 = arith.constant 38400 : i32
        %dma_start3A_108 = tpu.memref_slice %arg2[%add3A_74, %dma_start3A_107] : memref<256x100000xf32, #tpu.memory_space<hbm>> -> memref<1x12800xf32, #tpu.memory_space<hbm>>
        %dma_start3A_109 = arith.constant 0 : i32
        %dma_start3A_110 = arith.constant 38400 : i32
        %dma_start3A_111 = tpu.memref_slice %arg6[%dma_start3A_109, %dma_start3A_110] : memref<1x100000xf32, #tpu.memory_space<vmem>> -> memref<1x12800xf32, #tpu.memory_space<vmem>>
        %dma_start3A_112 = arith.constant 38400 : i32
        %dma_start3A_113 = tpu.memref_slice %arg2[%add3A_74, %dma_start3A_112] : memref<256x100000xf32, #tpu.memory_space<hbm>> -> memref<1x12800xf32, #tpu.memory_space<hbm>>
        tpu.enqueue_dma source(%dma_start3A_113 : memref<1x12800xf32, #tpu.memory_space<hbm>>) target(%dma_start3A_111 : memref<1x12800xf32, #tpu.memory_space<vmem>>) target_semaphore(%arg13 : memref<!tpu.dma_semaphore, #tpu.memory_space<semaphore_mem>>)
        %dma_start3A_114 = arith.constant 0 : i32
        %dma_start3A_115 = arith.constant 51200 : i32
        %dma_start3A_116 = tpu.memref_slice %arg6[%dma_start3A_114, %dma_start3A_115] : memref<1x100000xf32, #tpu.memory_space<vmem>> -> memref<1x12800xf32, #tpu.memory_space<vmem>>
        %dma_start3A_117 = arith.constant 51200 : i32
        %dma_start3A_118 = tpu.memref_slice %arg2[%add3A_74, %dma_start3A_117] : memref<256x100000xf32, #tpu.memory_space<hbm>> -> memref<1x12800xf32, #tpu.memory_space<hbm>>
        %dma_start3A_119 = arith.constant 0 : i32
        %dma_start3A_120 = arith.constant 51200 : i32
        %dma_start3A_121 = tpu.memref_slice %arg6[%dma_start3A_119, %dma_start3A_120] : memref<1x100000xf32, #tpu.memory_space<vmem>> -> memref<1x12800xf32, #tpu.memory_space<vmem>>
        %dma_start3A_122 = arith.constant 51200 : i32
        %dma_start3A_123 = tpu.memref_slice %arg2[%add3A_74, %dma_start3A_122] : memref<256x100000xf32, #tpu.memory_space<hbm>> -> memref<1x12800xf32, #tpu.memory_space<hbm>>
        tpu.enqueue_dma source(%dma_start3A_123 : memref<1x12800xf32, #tpu.memory_space<hbm>>) target(%dma_start3A_121 : memref<1x12800xf32, #tpu.memory_space<vmem>>) target_semaphore(%arg13 : memref<!tpu.dma_semaphore, #tpu.memory_space<semaphore_mem>>)
        %dma_start3A_124 = arith.constant 0 : i32
        %dma_start3A_125 = arith.constant 64000 : i32
        %dma_start3A_126 = tpu.memref_slice %arg6[%dma_start3A_124, %dma_start3A_125] : memref<1x100000xf32, #tpu.memory_space<vmem>> -> memref<1x12800xf32, #tpu.memory_space<vmem>>
        %dma_start3A_127 = arith.constant 64000 : i32
        %dma_start3A_128 = tpu.memref_slice %arg2[%add3A_74, %dma_start3A_127] : memref<256x100000xf32, #tpu.memory_space<hbm>> -> memref<1x12800xf32, #tpu.memory_space<hbm>>
        %dma_start3A_129 = arith.constant 0 : i32
        %dma_start3A_130 = arith.constant 64000 : i32
        %dma_start3A_131 = tpu.memref_slice %arg6[%dma_start3A_129, %dma_start3A_130] : memref<1x100000xf32, #tpu.memory_space<vmem>> -> memref<1x12800xf32, #tpu.memory_space<vmem>>
        %dma_start3A_132 = arith.constant 64000 : i32
        %dma_start3A_133 = tpu.memref_slice %arg2[%add3A_74, %dma_start3A_132] : memref<256x100000xf32, #tpu.memory_space<hbm>> -> memref<1x12800xf32, #tpu.memory_space<hbm>>
        tpu.enqueue_dma source(%dma_start3A_133 : memref<1x12800xf32, #tpu.memory_space<hbm>>) target(%dma_start3A_131 : memref<1x12800xf32, #tpu.memory_space<vmem>>) target_semaphore(%arg13 : memref<!tpu.dma_semaphore, #tpu.memory_space<semaphore_mem>>)
        %dma_start3A_134 = arith.constant 0 : i32
        %dma_start3A_135 = arith.constant 76800 : i32
        %dma_start3A_136 = tpu.memref_slice %arg6[%dma_start3A_134, %dma_start3A_135] : memref<1x100000xf32, #tpu.memory_space<vmem>> -> memref<1x12800xf32, #tpu.memory_space<vmem>>
        %dma_start3A_137 = arith.constant 76800 : i32
        %dma_start3A_138 = tpu.memref_slice %arg2[%add3A_74, %dma_start3A_137] : memref<256x100000xf32, #tpu.memory_space<hbm>> -> memref<1x12800xf32, #tpu.memory_space<hbm>>
        %dma_start3A_139 = arith.constant 0 : i32
        %dma_start3A_140 = arith.constant 76800 : i32
        %dma_start3A_141 = tpu.memref_slice %arg6[%dma_start3A_139, %dma_start3A_140] : memref<1x100000xf32, #tpu.memory_space<vmem>> -> memref<1x12800xf32, #tpu.memory_space<vmem>>
        %dma_start3A_142 = arith.constant 76800 : i32
        %dma_start3A_143 = tpu.memref_slice %arg2[%add3A_74, %dma_start3A_142] : memref<256x100000xf32, #tpu.memory_space<hbm>> -> memref<1x12800xf32, #tpu.memory_space<hbm>>
        tpu.enqueue_dma source(%dma_start3A_143 : memref<1x12800xf32, #tpu.memory_space<hbm>>) target(%dma_start3A_141 : memref<1x12800xf32, #tpu.memory_space<vmem>>) target_semaphore(%arg13 : memref<!tpu.dma_semaphore, #tpu.memory_space<semaphore_mem>>)
        %dma_start3A_144 = arith.constant 0 : i32
        %dma_start3A_145 = arith.constant 89600 : i32
        %dma_start3A_146 = tpu.memref_slice %arg6[%dma_start3A_144, %dma_start3A_145] : memref<1x100000xf32, #tpu.memory_space<vmem>> -> memref<1x10400xf32, #tpu.memory_space<vmem>>
        %dma_start3A_147 = arith.constant 89600 : i32
        %dma_start3A_148 = tpu.memref_slice %arg2[%add3A_74, %dma_start3A_147] : memref<256x100000xf32, #tpu.memory_space<hbm>> -> memref<1x10400xf32, #tpu.memory_space<hbm>>
        %dma_start3A_149 = arith.constant 0 : i32
        %dma_start3A_150 = arith.constant 89600 : i32
        %dma_start3A_151 = tpu.memref_slice %arg6[%dma_start3A_149, %dma_start3A_150] : memref<1x100000xf32, #tpu.memory_space<vmem>> -> memref<1x10400xf32, #tpu.memory_space<vmem>>
        %dma_start3A_152 = arith.constant 89600 : i32
        %dma_start3A_153 = tpu.memref_slice %arg2[%add3A_74, %dma_start3A_152] : memref<256x100000xf32, #tpu.memory_space<hbm>> -> memref<1x10400xf32, #tpu.memory_space<hbm>>
        tpu.enqueue_dma source(%dma_start3A_153 : memref<1x10400xf32, #tpu.memory_space<hbm>>) target(%dma_start3A_151 : memref<1x10400xf32, #tpu.memory_space<vmem>>) target_semaphore(%arg13 : memref<!tpu.dma_semaphore, #tpu.memory_space<semaphore_mem>>)
        %dma_wait3A = arith.constant 0 : i32
        %dma_wait3A_154 = arith.constant 0 : i32
        %dma_wait3A_155 = tpu.memref_slice %arg6[%dma_wait3A, %dma_wait3A_154] : memref<1x100000xf32, #tpu.memory_space<vmem>> -> memref<1x12800xf32, #tpu.memory_space<vmem>>
        %dma_wait3A_156 = arith.constant 0 : i32
        %dma_wait3A_157 = tpu.memref_slice %arg2[%add3A_74, %dma_wait3A_156] : memref<256x100000xf32, #tpu.memory_space<hbm>> -> memref<1x12800xf32, #tpu.memory_space<hbm>>
        %dma_wait3A_158 = arith.constant 0 : i32
        %dma_wait3A_159 = arith.constant 0 : i32
        %dma_wait3A_160 = tpu.memref_slice %arg6[%dma_wait3A_158, %dma_wait3A_159] : memref<1x100000xf32, #tpu.memory_space<vmem>> -> memref<1x12800xf32, #tpu.memory_space<vmem>>
        %dma_wait3A_161 = arith.constant 0 : i32
        %dma_wait3A_162 = tpu.memref_slice %arg2[%add3A_74, %dma_wait3A_161] : memref<256x100000xf32, #tpu.memory_space<hbm>> -> memref<1x12800xf32, #tpu.memory_space<hbm>>
        tpu.wait_dma2 semaphore(%arg13 : memref<!tpu.dma_semaphore, #tpu.memory_space<semaphore_mem>>) src(%dma_wait3A_162 : memref<1x12800xf32, #tpu.memory_space<hbm>>) dst(%dma_wait3A_160 : memref<1x12800xf32, #tpu.memory_space<vmem>>)
        %dma_wait3A_163 = arith.constant 0 : i32
        %dma_wait3A_164 = arith.constant 12800 : i32
        %dma_wait3A_165 = tpu.memref_slice %arg6[%dma_wait3A_163, %dma_wait3A_164] : memref<1x100000xf32, #tpu.memory_space<vmem>> -> memref<1x12800xf32, #tpu.memory_space<vmem>>
        %dma_wait3A_166 = arith.constant 12800 : i32
        %dma_wait3A_167 = tpu.memref_slice %arg2[%add3A_74, %dma_wait3A_166] : memref<256x100000xf32, #tpu.memory_space<hbm>> -> memref<1x12800xf32, #tpu.memory_space<hbm>>
        %dma_wait3A_168 = arith.constant 0 : i32
        %dma_wait3A_169 = arith.constant 12800 : i32
        %dma_wait3A_170 = tpu.memref_slice %arg6[%dma_wait3A_168, %dma_wait3A_169] : memref<1x100000xf32, #tpu.memory_space<vmem>> -> memref<1x12800xf32, #tpu.memory_space<vmem>>
        %dma_wait3A_171 = arith.constant 12800 : i32
        %dma_wait3A_172 = tpu.memref_slice %arg2[%add3A_74, %dma_wait3A_171] : memref<256x100000xf32, #tpu.memory_space<hbm>> -> memref<1x12800xf32, #tpu.memory_space<hbm>>
        tpu.wait_dma2 semaphore(%arg13 : memref<!tpu.dma_semaphore, #tpu.memory_space<semaphore_mem>>) src(%dma_wait3A_172 : memref<1x12800xf32, #tpu.memory_space<hbm>>) dst(%dma_wait3A_170 : memref<1x12800xf32, #tpu.memory_space<vmem>>)
        %dma_wait3A_173 = arith.constant 0 : i32
        %dma_wait3A_174 = arith.constant 25600 : i32
        %dma_wait3A_175 = tpu.memref_slice %arg6[%dma_wait3A_173, %dma_wait3A_174] : memref<1x100000xf32, #tpu.memory_space<vmem>> -> memref<1x12800xf32, #tpu.memory_space<vmem>>
        %dma_wait3A_176 = arith.constant 25600 : i32
        %dma_wait3A_177 = tpu.memref_slice %arg2[%add3A_74, %dma_wait3A_176] : memref<256x100000xf32, #tpu.memory_space<hbm>> -> memref<1x12800xf32, #tpu.memory_space<hbm>>
        %dma_wait3A_178 = arith.constant 0 : i32
        %dma_wait3A_179 = arith.constant 25600 : i32
        %dma_wait3A_180 = tpu.memref_slice %arg6[%dma_wait3A_178, %dma_wait3A_179] : memref<1x100000xf32, #tpu.memory_space<vmem>> -> memref<1x12800xf32, #tpu.memory_space<vmem>>
        %dma_wait3A_181 = arith.constant 25600 : i32
        %dma_wait3A_182 = tpu.memref_slice %arg2[%add3A_74, %dma_wait3A_181] : memref<256x100000xf32, #tpu.memory_space<hbm>> -> memref<1x12800xf32, #tpu.memory_space<hbm>>
        tpu.wait_dma2 semaphore(%arg13 : memref<!tpu.dma_semaphore, #tpu.memory_space<semaphore_mem>>) src(%dma_wait3A_182 : memref<1x12800xf32, #tpu.memory_space<hbm>>) dst(%dma_wait3A_180 : memref<1x12800xf32, #tpu.memory_space<vmem>>)
        %dma_wait3A_183 = arith.constant 0 : i32
        %dma_wait3A_184 = arith.constant 38400 : i32
        %dma_wait3A_185 = tpu.memref_slice %arg6[%dma_wait3A_183, %dma_wait3A_184] : memref<1x100000xf32, #tpu.memory_space<vmem>> -> memref<1x12800xf32, #tpu.memory_space<vmem>>
        %dma_wait3A_186 = arith.constant 38400 : i32
        %dma_wait3A_187 = tpu.memref_slice %arg2[%add3A_74, %dma_wait3A_186] : memref<256x100000xf32, #tpu.memory_space<hbm>> -> memref<1x12800xf32, #tpu.memory_space<hbm>>
        %dma_wait3A_188 = arith.constant 0 : i32
        %dma_wait3A_189 = arith.constant 38400 : i32
        %dma_wait3A_190 = tpu.memref_slice %arg6[%dma_wait3A_188, %dma_wait3A_189] : memref<1x100000xf32, #tpu.memory_space<vmem>> -> memref<1x12800xf32, #tpu.memory_space<vmem>>
        %dma_wait3A_191 = arith.constant 38400 : i32
        %dma_wait3A_192 = tpu.memref_slice %arg2[%add3A_74, %dma_wait3A_191] : memref<256x100000xf32, #tpu.memory_space<hbm>> -> memref<1x12800xf32, #tpu.memory_space<hbm>>
        tpu.wait_dma2 semaphore(%arg13 : memref<!tpu.dma_semaphore, #tpu.memory_space<semaphore_mem>>) src(%dma_wait3A_192 : memref<1x12800xf32, #tpu.memory_space<hbm>>) dst(%dma_wait3A_190 : memref<1x12800xf32, #tpu.memory_space<vmem>>)
        %dma_wait3A_193 = arith.constant 0 : i32
        %dma_wait3A_194 = arith.constant 51200 : i32
        %dma_wait3A_195 = tpu.memref_slice %arg6[%dma_wait3A_193, %dma_wait3A_194] : memref<1x100000xf32, #tpu.memory_space<vmem>> -> memref<1x12800xf32, #tpu.memory_space<vmem>>
        %dma_wait3A_196 = arith.constant 51200 : i32
        %dma_wait3A_197 = tpu.memref_slice %arg2[%add3A_74, %dma_wait3A_196] : memref<256x100000xf32, #tpu.memory_space<hbm>> -> memref<1x12800xf32, #tpu.memory_space<hbm>>
        %dma_wait3A_198 = arith.constant 0 : i32
        %dma_wait3A_199 = arith.constant 51200 : i32
        %dma_wait3A_200 = tpu.memref_slice %arg6[%dma_wait3A_198, %dma_wait3A_199] : memref<1x100000xf32, #tpu.memory_space<vmem>> -> memref<1x12800xf32, #tpu.memory_space<vmem>>
        %dma_wait3A_201 = arith.constant 51200 : i32
        %dma_wait3A_202 = tpu.memref_slice %arg2[%add3A_74, %dma_wait3A_201] : memref<256x100000xf32, #tpu.memory_space<hbm>> -> memref<1x12800xf32, #tpu.memory_space<hbm>>
        tpu.wait_dma2 semaphore(%arg13 : memref<!tpu.dma_semaphore, #tpu.memory_space<semaphore_mem>>) src(%dma_wait3A_202 : memref<1x12800xf32, #tpu.memory_space<hbm>>) dst(%dma_wait3A_200 : memref<1x12800xf32, #tpu.memory_space<vmem>>)
        %dma_wait3A_203 = arith.constant 0 : i32
        %dma_wait3A_204 = arith.constant 64000 : i32
        %dma_wait3A_205 = tpu.memref_slice %arg6[%dma_wait3A_203, %dma_wait3A_204] : memref<1x100000xf32, #tpu.memory_space<vmem>> -> memref<1x12800xf32, #tpu.memory_space<vmem>>
        %dma_wait3A_206 = arith.constant 64000 : i32
        %dma_wait3A_207 = tpu.memref_slice %arg2[%add3A_74, %dma_wait3A_206] : memref<256x100000xf32, #tpu.memory_space<hbm>> -> memref<1x12800xf32, #tpu.memory_space<hbm>>
        %dma_wait3A_208 = arith.constant 0 : i32
        %dma_wait3A_209 = arith.constant 64000 : i32
        %dma_wait3A_210 = tpu.memref_slice %arg6[%dma_wait3A_208, %dma_wait3A_209] : memref<1x100000xf32, #tpu.memory_space<vmem>> -> memref<1x12800xf32, #tpu.memory_space<vmem>>
        %dma_wait3A_211 = arith.constant 64000 : i32
        %dma_wait3A_212 = tpu.memref_slice %arg2[%add3A_74, %dma_wait3A_211] : memref<256x100000xf32, #tpu.memory_space<hbm>> -> memref<1x12800xf32, #tpu.memory_space<hbm>>
        tpu.wait_dma2 semaphore(%arg13 : memref<!tpu.dma_semaphore, #tpu.memory_space<semaphore_mem>>) src(%dma_wait3A_212 : memref<1x12800xf32, #tpu.memory_space<hbm>>) dst(%dma_wait3A_210 : memref<1x12800xf32, #tpu.memory_space<vmem>>)
        %dma_wait3A_213 = arith.constant 0 : i32
        %dma_wait3A_214 = arith.constant 76800 : i32
        %dma_wait3A_215 = tpu.memref_slice %arg6[%dma_wait3A_213, %dma_wait3A_214] : memref<1x100000xf32, #tpu.memory_space<vmem>> -> memref<1x12800xf32, #tpu.memory_space<vmem>>
        %dma_wait3A_216 = arith.constant 76800 : i32
        %dma_wait3A_217 = tpu.memref_slice %arg2[%add3A_74, %dma_wait3A_216] : memref<256x100000xf32, #tpu.memory_space<hbm>> -> memref<1x12800xf32, #tpu.memory_space<hbm>>
        %dma_wait3A_218 = arith.constant 0 : i32
        %dma_wait3A_219 = arith.constant 76800 : i32
        %dma_wait3A_220 = tpu.memref_slice %arg6[%dma_wait3A_218, %dma_wait3A_219] : memref<1x100000xf32, #tpu.memory_space<vmem>> -> memref<1x12800xf32, #tpu.memory_space<vmem>>
        %dma_wait3A_221 = arith.constant 76800 : i32
        %dma_wait3A_222 = tpu.memref_slice %arg2[%add3A_74, %dma_wait3A_221] : memref<256x100000xf32, #tpu.memory_space<hbm>> -> memref<1x12800xf32, #tpu.memory_space<hbm>>
        tpu.wait_dma2 semaphore(%arg13 : memref<!tpu.dma_semaphore, #tpu.memory_space<semaphore_mem>>) src(%dma_wait3A_222 : memref<1x12800xf32, #tpu.memory_space<hbm>>) dst(%dma_wait3A_220 : memref<1x12800xf32, #tpu.memory_space<vmem>>)
        %dma_wait3A_223 = arith.constant 0 : i32
        %dma_wait3A_224 = arith.constant 89600 : i32
        %dma_wait3A_225 = tpu.memref_slice %arg6[%dma_wait3A_223, %dma_wait3A_224] : memref<1x100000xf32, #tpu.memory_space<vmem>> -> memref<1x10400xf32, #tpu.memory_space<vmem>>
        %dma_wait3A_226 = arith.constant 89600 : i32
        %dma_wait3A_227 = tpu.memref_slice %arg2[%add3A_74, %dma_wait3A_226] : memref<256x100000xf32, #tpu.memory_space<hbm>> -> memref<1x10400xf32, #tpu.memory_space<hbm>>
        %dma_wait3A_228 = arith.constant 0 : i32
        %dma_wait3A_229 = arith.constant 89600 : i32
        %dma_wait3A_230 = tpu.memref_slice %arg6[%dma_wait3A_228, %dma_wait3A_229] : memref<1x100000xf32, #tpu.memory_space<vmem>> -> memref<1x10400xf32, #tpu.memory_space<vmem>>
        %dma_wait3A_231 = arith.constant 89600 : i32
        %dma_wait3A_232 = tpu.memref_slice %arg2[%add3A_74, %dma_wait3A_231] : memref<256x100000xf32, #tpu.memory_space<hbm>> -> memref<1x10400xf32, #tpu.memory_space<hbm>>
        tpu.wait_dma2 semaphore(%arg13 : memref<!tpu.dma_semaphore, #tpu.memory_space<semaphore_mem>>) src(%dma_wait3A_232 : memref<1x10400xf32, #tpu.memory_space<hbm>>) dst(%dma_wait3A_230 : memref<1x10400xf32, #tpu.memory_space<vmem>>)
        %broadcast_in_dim3A_233 = arith.constant 0 : i32
        %broadcast_in_dim3A_234 = vector.broadcast %broadcast_in_dim3A_233 : i32 to vector<16xi32>
        %parallel_loop3A = arith.constant 0 : i32
        %parallel_loop3A_235 = arith.constant 256 : i32
        %parallel_loop3A_236 = arith.constant 1 : i32
        scf.for %parallel_loop3A_278 = %parallel_loop3A to %parallel_loop3A_235 step %parallel_loop3A_236  : i32 {
          %parallel_loop3A_279 = arith.constant 16 : i32
          %parallel_loop3A_280 = arith.muli %parallel_loop3A_278, %parallel_loop3A_279 : i32
          %parallel_loop3A_281 = arith.constant 0 : i32
          %parallel_loop3A_282 = arith.addi %parallel_loop3A_281, %parallel_loop3A_280 : i32
          %parallel_loop3A_283 = arith.index_cast %parallel_loop3A_282 : i32 to index
          %parallel_loop3A_284 = tpu.vector_load %arg7[%parallel_loop3A_283] {strides = array<i32>} : memref<16384xi32, #tpu.memory_space<vmem>>, vector<16xi32>,
          %parallel_loop3A_285 = tpu.vector_load_idx %arg6[%broadcast_in_dim3A_234, %parallel_loop3A_284] : memref<1x100000xf32, #tpu.memory_space<vmem>>[vector<16xi32>, vector<16xi32>], vector<16xf32>,
          %parallel_loop3A_286 = arith.constant 16 : i32
          %parallel_loop3A_287 = arith.muli %parallel_loop3A_278, %parallel_loop3A_286 : i32
          %parallel_loop3A_288 = arith.constant 0 : i32
          %parallel_loop3A_289 = arith.constant 0 : i32
          %parallel_loop3A_290 = arith.index_cast %parallel_loop3A_288 : i32 to index
          %parallel_loop3A_291 = arith.index_cast %parallel_loop3A_289 : i32 to index
          %parallel_loop3A_292 = arith.index_cast %parallel_loop3A_287 : i32 to index
          %parallel_loop3A_293 = tpu.vector_load %arg8[%parallel_loop3A_290, %parallel_loop3A_291, %parallel_loop3A_292] {strides = array<i32>} : memref<1x1x4096xf32, #tpu.memory_space<vmem>>, vector<16xf32>,
          tpu.vector_store %arg8[%parallel_loop3A_290, %parallel_loop3A_291, %parallel_loop3A_292], %parallel_loop3A_285 {strides = array<i32>} : memref<1x1x4096xf32, #tpu.memory_space<vmem>>, vector<16xf32>,
        } {sc.loop_unroll_factor = 4 : i64, sc.parallel_access}
        %dma_start3A_237 = arith.constant 0 : i32
        %dma_start3A_238 = tpu.memref_slice %arg5[%sub3A_30, %select_n3A, %dma_start3A_237] : memref<50x4x16384xf32, #tpu.memory_space<hbm>> -> memref<1x1x4096xf32, #tpu.memory_space<hbm>>
        %dma_start3A_239 = arith.constant 0 : i32
        %dma_start3A_240 = tpu.memref_slice %arg5[%sub3A_30, %select_n3A, %dma_start3A_239] : memref<50x4x16384xf32, #tpu.memory_space<hbm>> -> memref<1x1x4096xf32, #tpu.memory_space<hbm>>
        tpu.enqueue_dma source(%arg8 : memref<1x1x4096xf32, #tpu.memory_space<vmem>>) target(%dma_start3A_240 : memref<1x1x4096xf32, #tpu.memory_space<hbm>>) target_semaphore(%arg11 : memref<!tpu.dma_semaphore, #tpu.memory_space<semaphore_mem>>)
        %parallel_loop3A_241 = arith.constant 0 : i32
        %parallel_loop3A_242 = arith.constant 256 : i32
        %parallel_loop3A_243 = arith.constant 1 : i32
        scf.for %parallel_loop3A_278 = %parallel_loop3A_241 to %parallel_loop3A_242 step %parallel_loop3A_243  : i32 {
          %parallel_loop3A_279 = arith.constant 16 : i32
          %parallel_loop3A_280 = arith.muli %parallel_loop3A_278, %parallel_loop3A_279 : i32
          %parallel_loop3A_281 = arith.constant 4096 : i32
          %parallel_loop3A_282 = arith.addi %parallel_loop3A_281, %parallel_loop3A_280 : i32
          %parallel_loop3A_283 = arith.index_cast %parallel_loop3A_282 : i32 to index
          %parallel_loop3A_284 = tpu.vector_load %arg7[%parallel_loop3A_283] {strides = array<i32>} : memref<16384xi32, #tpu.memory_space<vmem>>, vector<16xi32>,
          %parallel_loop3A_285 = tpu.vector_load_idx %arg6[%broadcast_in_dim3A_234, %parallel_loop3A_284] : memref<1x100000xf32, #tpu.memory_space<vmem>>[vector<16xi32>, vector<16xi32>], vector<16xf32>,
          %parallel_loop3A_286 = arith.constant 16 : i32
          %parallel_loop3A_287 = arith.muli %parallel_loop3A_278, %parallel_loop3A_286 : i32
          %parallel_loop3A_288 = arith.constant 0 : i32
          %parallel_loop3A_289 = arith.constant 0 : i32
          %parallel_loop3A_290 = arith.index_cast %parallel_loop3A_288 : i32 to index
          %parallel_loop3A_291 = arith.index_cast %parallel_loop3A_289 : i32 to index
          %parallel_loop3A_292 = arith.index_cast %parallel_loop3A_287 : i32 to index
          %parallel_loop3A_293 = tpu.vector_load %arg9[%parallel_loop3A_290, %parallel_loop3A_291, %parallel_loop3A_292] {strides = array<i32>} : memref<1x1x4096xf32, #tpu.memory_space<vmem>>, vector<16xf32>,
          tpu.vector_store %arg9[%parallel_loop3A_290, %parallel_loop3A_291, %parallel_loop3A_292], %parallel_loop3A_285 {strides = array<i32>} : memref<1x1x4096xf32, #tpu.memory_space<vmem>>, vector<16xf32>,
        } {sc.loop_unroll_factor = 4 : i64, sc.parallel_access}
        %dma_start3A_244 = arith.constant 4096 : i32
        %dma_start3A_245 = tpu.memref_slice %arg5[%sub3A_30, %select_n3A, %dma_start3A_244] : memref<50x4x16384xf32, #tpu.memory_space<hbm>> -> memref<1x1x4096xf32, #tpu.memory_space<hbm>>
        %dma_start3A_246 = arith.constant 4096 : i32
        %dma_start3A_247 = tpu.memref_slice %arg5[%sub3A_30, %select_n3A, %dma_start3A_246] : memref<50x4x16384xf32, #tpu.memory_space<hbm>> -> memref<1x1x4096xf32, #tpu.memory_space<hbm>>
        tpu.enqueue_dma source(%arg9 : memref<1x1x4096xf32, #tpu.memory_space<vmem>>) target(%dma_start3A_247 : memref<1x1x4096xf32, #tpu.memory_space<hbm>>) target_semaphore(%arg12 : memref<!tpu.dma_semaphore, #tpu.memory_space<semaphore_mem>>)
        %dma_wait3A_248 = arith.constant 0 : i32
        %dma_wait3A_249 = tpu.memref_slice %arg5[%sub3A_30, %select_n3A, %dma_wait3A_248] : memref<50x4x16384xf32, #tpu.memory_space<hbm>> -> memref<1x1x4096xf32, #tpu.memory_space<hbm>>
        %dma_wait3A_250 = arith.constant 0 : i32
        %dma_wait3A_251 = tpu.memref_slice %arg5[%sub3A_30, %select_n3A, %dma_wait3A_250] : memref<50x4x16384xf32, #tpu.memory_space<hbm>> -> memref<1x1x4096xf32, #tpu.memory_space<hbm>>
        tpu.wait_dma2 semaphore(%arg11 : memref<!tpu.dma_semaphore, #tpu.memory_space<semaphore_mem>>) src(%arg8 : memref<1x1x4096xf32, #tpu.memory_space<vmem>>) dst(%dma_wait3A_251 : memref<1x1x4096xf32, #tpu.memory_space<hbm>>)
        %parallel_loop3A_252 = arith.constant 0 : i32
        %parallel_loop3A_253 = arith.constant 256 : i32
        %parallel_loop3A_254 = arith.constant 1 : i32
        scf.for %parallel_loop3A_278 = %parallel_loop3A_252 to %parallel_loop3A_253 step %parallel_loop3A_254  : i32 {
          %parallel_loop3A_279 = arith.constant 16 : i32
          %parallel_loop3A_280 = arith.muli %parallel_loop3A_278, %parallel_loop3A_279 : i32
          %parallel_loop3A_281 = arith.constant 8192 : i32
          %parallel_loop3A_282 = arith.addi %parallel_loop3A_281, %parallel_loop3A_280 : i32
          %parallel_loop3A_283 = arith.index_cast %parallel_loop3A_282 : i32 to index
          %parallel_loop3A_284 = tpu.vector_load %arg7[%parallel_loop3A_283] {strides = array<i32>} : memref<16384xi32, #tpu.memory_space<vmem>>, vector<16xi32>,
          %parallel_loop3A_285 = tpu.vector_load_idx %arg6[%broadcast_in_dim3A_234, %parallel_loop3A_284] : memref<1x100000xf32, #tpu.memory_space<vmem>>[vector<16xi32>, vector<16xi32>], vector<16xf32>,
          %parallel_loop3A_286 = arith.constant 16 : i32
          %parallel_loop3A_287 = arith.muli %parallel_loop3A_278, %parallel_loop3A_286 : i32
          %parallel_loop3A_288 = arith.constant 0 : i32
          %parallel_loop3A_289 = arith.constant 0 : i32
          %parallel_loop3A_290 = arith.index_cast %parallel_loop3A_288 : i32 to index
          %parallel_loop3A_291 = arith.index_cast %parallel_loop3A_289 : i32 to index
          %parallel_loop3A_292 = arith.index_cast %parallel_loop3A_287 : i32 to index
          %parallel_loop3A_293 = tpu.vector_load %arg8[%parallel_loop3A_290, %parallel_loop3A_291, %parallel_loop3A_292] {strides = array<i32>} : memref<1x1x4096xf32, #tpu.memory_space<vmem>>, vector<16xf32>,
          tpu.vector_store %arg8[%parallel_loop3A_290, %parallel_loop3A_291, %parallel_loop3A_292], %parallel_loop3A_285 {strides = array<i32>} : memref<1x1x4096xf32, #tpu.memory_space<vmem>>, vector<16xf32>,
        } {sc.loop_unroll_factor = 4 : i64, sc.parallel_access}
        %dma_start3A_255 = arith.constant 8192 : i32
        %dma_start3A_256 = tpu.memref_slice %arg5[%sub3A_30, %select_n3A, %dma_start3A_255] : memref<50x4x16384xf32, #tpu.memory_space<hbm>> -> memref<1x1x4096xf32, #tpu.memory_space<hbm>>
        %dma_start3A_257 = arith.constant 8192 : i32
        %dma_start3A_258 = tpu.memref_slice %arg5[%sub3A_30, %select_n3A, %dma_start3A_257] : memref<50x4x16384xf32, #tpu.memory_space<hbm>> -> memref<1x1x4096xf32, #tpu.memory_space<hbm>>
        tpu.enqueue_dma source(%arg8 : memref<1x1x4096xf32, #tpu.memory_space<vmem>>) target(%dma_start3A_258 : memref<1x1x4096xf32, #tpu.memory_space<hbm>>) target_semaphore(%arg11 : memref<!tpu.dma_semaphore, #tpu.memory_space<semaphore_mem>>)
        %dma_wait3A_259 = arith.constant 4096 : i32
        %dma_wait3A_260 = tpu.memref_slice %arg5[%sub3A_30, %select_n3A, %dma_wait3A_259] : memref<50x4x16384xf32, #tpu.memory_space<hbm>> -> memref<1x1x4096xf32, #tpu.memory_space<hbm>>
        %dma_wait3A_261 = arith.constant 4096 : i32
        %dma_wait3A_262 = tpu.memref_slice %arg5[%sub3A_30, %select_n3A, %dma_wait3A_261] : memref<50x4x16384xf32, #tpu.memory_space<hbm>> -> memref<1x1x4096xf32, #tpu.memory_space<hbm>>
        tpu.wait_dma2 semaphore(%arg12 : memref<!tpu.dma_semaphore, #tpu.memory_space<semaphore_mem>>) src(%arg9 : memref<1x1x4096xf32, #tpu.memory_space<vmem>>) dst(%dma_wait3A_262 : memref<1x1x4096xf32, #tpu.memory_space<hbm>>)
        %parallel_loop3A_263 = arith.constant 0 : i32
        %parallel_loop3A_264 = arith.constant 256 : i32
        %parallel_loop3A_265 = arith.constant 1 : i32
        scf.for %parallel_loop3A_278 = %parallel_loop3A_263 to %parallel_loop3A_264 step %parallel_loop3A_265  : i32 {
          %parallel_loop3A_279 = arith.constant 16 : i32
          %parallel_loop3A_280 = arith.muli %parallel_loop3A_278, %parallel_loop3A_279 : i32
          %parallel_loop3A_281 = arith.constant 12288 : i32
          %parallel_loop3A_282 = arith.addi %parallel_loop3A_281, %parallel_loop3A_280 : i32
          %parallel_loop3A_283 = arith.index_cast %parallel_loop3A_282 : i32 to index
          %parallel_loop3A_284 = tpu.vector_load %arg7[%parallel_loop3A_283] {strides = array<i32>} : memref<16384xi32, #tpu.memory_space<vmem>>, vector<16xi32>,
          %parallel_loop3A_285 = tpu.vector_load_idx %arg6[%broadcast_in_dim3A_234, %parallel_loop3A_284] : memref<1x100000xf32, #tpu.memory_space<vmem>>[vector<16xi32>, vector<16xi32>], vector<16xf32>,
          %parallel_loop3A_286 = arith.constant 16 : i32
          %parallel_loop3A_287 = arith.muli %parallel_loop3A_278, %parallel_loop3A_286 : i32
          %parallel_loop3A_288 = arith.constant 0 : i32
          %parallel_loop3A_289 = arith.constant 0 : i32
          %parallel_loop3A_290 = arith.index_cast %parallel_loop3A_288 : i32 to index
          %parallel_loop3A_291 = arith.index_cast %parallel_loop3A_289 : i32 to index
          %parallel_loop3A_292 = arith.index_cast %parallel_loop3A_287 : i32 to index
          %parallel_loop3A_293 = tpu.vector_load %arg9[%parallel_loop3A_290, %parallel_loop3A_291, %parallel_loop3A_292] {strides = array<i32>} : memref<1x1x4096xf32, #tpu.memory_space<vmem>>, vector<16xf32>,
          tpu.vector_store %arg9[%parallel_loop3A_290, %parallel_loop3A_291, %parallel_loop3A_292], %parallel_loop3A_285 {strides = array<i32>} : memref<1x1x4096xf32, #tpu.memory_space<vmem>>, vector<16xf32>,
        } {sc.loop_unroll_factor = 4 : i64, sc.parallel_access}
        %dma_start3A_266 = arith.constant 12288 : i32
        %dma_start3A_267 = tpu.memref_slice %arg5[%sub3A_30, %select_n3A, %dma_start3A_266] : memref<50x4x16384xf32, #tpu.memory_space<hbm>> -> memref<1x1x4096xf32, #tpu.memory_space<hbm>>
        %dma_start3A_268 = arith.constant 12288 : i32
        %dma_start3A_269 = tpu.memref_slice %arg5[%sub3A_30, %select_n3A, %dma_start3A_268] : memref<50x4x16384xf32, #tpu.memory_space<hbm>> -> memref<1x1x4096xf32, #tpu.memory_space<hbm>>
        tpu.enqueue_dma source(%arg9 : memref<1x1x4096xf32, #tpu.memory_space<vmem>>) target(%dma_start3A_269 : memref<1x1x4096xf32, #tpu.memory_space<hbm>>) target_semaphore(%arg12 : memref<!tpu.dma_semaphore, #tpu.memory_space<semaphore_mem>>)
        %dma_wait3A_270 = arith.constant 8192 : i32
        %dma_wait3A_271 = tpu.memref_slice %arg5[%sub3A_30, %select_n3A, %dma_wait3A_270] : memref<50x4x16384xf32, #tpu.memory_space<hbm>> -> memref<1x1x4096xf32, #tpu.memory_space<hbm>>
        %dma_wait3A_272 = arith.constant 8192 : i32
        %dma_wait3A_273 = tpu.memref_slice %arg5[%sub3A_30, %select_n3A, %dma_wait3A_272] : memref<50x4x16384xf32, #tpu.memory_space<hbm>> -> memref<1x1x4096xf32, #tpu.memory_space<hbm>>
        tpu.wait_dma2 semaphore(%arg11 : memref<!tpu.dma_semaphore, #tpu.memory_space<semaphore_mem>>) src(%arg8 : memref<1x1x4096xf32, #tpu.memory_space<vmem>>) dst(%dma_wait3A_273 : memref<1x1x4096xf32, #tpu.memory_space<hbm>>)
        %dma_wait3A_274 = arith.constant 12288 : i32
        %dma_wait3A_275 = tpu.memref_slice %arg5[%sub3A_30, %select_n3A, %dma_wait3A_274] : memref<50x4x16384xf32, #tpu.memory_space<hbm>> -> memref<1x1x4096xf32, #tpu.memory_space<hbm>>
        %dma_wait3A_276 = arith.constant 12288 : i32
        %dma_wait3A_277 = tpu.memref_slice %arg5[%sub3A_30, %select_n3A, %dma_wait3A_276] : memref<50x4x16384xf32, #tpu.memory_space<hbm>> -> memref<1x1x4096xf32, #tpu.memory_space<hbm>>
        tpu.wait_dma2 semaphore(%arg12 : memref<!tpu.dma_semaphore, #tpu.memory_space<semaphore_mem>>) src(%arg9 : memref<1x1x4096xf32, #tpu.memory_space<vmem>>) dst(%dma_wait3A_277 : memref<1x1x4096xf32, #tpu.memory_space<hbm>>)
      } else {
      }
    }
    %scan3A_5 = arith.constant 7 : i32
    return
  }
}

</mosaic_0001>

<sc_bundles>
// kernel: _sc_gather.3.cloned.1.call-start
scs
__scs_entry_jumppad:
0x0: {  	(pc) =	sbr.rel $0x88, $3  }
0x1: {  	(tag) =	ssettag $0x0;
	lr =	simm.s32 $0x1  }
0x2: {  	[smem:$0x3F9E] =	sst lr;
	_ =	strace $0xD0000000  }
0x3: {  	_ = 	snop  }
0x4: {  	_ = 	snop  }
0x5: {  	_ = 	snop  }
0x6: {  	_ = 	snop  }
0x7: {  	_ = 	snop  }
__scs_overlays_trampoline_lowered:
0x8: {  	[smem:$0x3FAD] =	sst s0  }
0x9: {  	[smem:$0x3FAE] =	sst s1  }
0xa: {  	[smem:$0x3FAF] =	sst s2  }
0xb: {  	[smem:$0x3FB0] =	sst s3  }
0xc: {  	[smem:$0x3FB1] =	sst s4  }
0xd: {  	[smem:$0x3FB2] =	sst s5  }
0xe: {  	[smem:$0x3FB3] =	sst s6  }
0xf: {  	[smem:$0x3FB4] =	sst s7  }
0x10: {  	[smem:$0x3FB5] =	sst s8  }
0x11: {  	[smem:$0x3FB6] =	sst s9;
	s0 =	simm.s32 @!p0 $0x0  }
0x12: {  	s1 =	sld [smem:$0x3F9C];
	s0 =	simm.s32 @p0 $0x1  }
0x13: {  	[smem:$0x3FB7] =	sst s0;
	s0 =	simm.s32 @!p1 $0x0  }
0x14: {  	s2 =	sld [smem:$0x3F9B];
	s0 =	simm.s32 @p1 $0x1  }
0x15: {  	[smem:$0x3FB8] =	sst s0;
	s0 =	simm.s32 @!p2 $0x0  }
0x16: {  	s3 =	sld [smem:$0x3FDB];
	s0 =	simm.s32 @p2 $0x1  }
0x17: {  	s4 =	simm.s32 $0x1BF5;
	[smem:$0x3FBA] =	sst s0  }
0x18: {  	s0 =	sld [smem:$0x3F9D];
	_ =	swait.ge [sflag:s4], $0x0  }
0x19: {  	s7 =	sld [smem:$0x3F9E]  }
0x1a: {  	s8 =	sadd.s32 $0xFFFFE003, lr  }
0x1b: {  	s9 =	sadd.s32 $0xFFFFFEF7, lr;
	s5 =	simm.s32 $0xFFFFFFFF;
	p2 =	slt.u32 s8, $0xFFFFF086  }
0x1c: {  	p1 =	slt.u32 s9, $0xF7A;
	s5 =	simm.s32 @!p2 $0x0  }
0x1d: {  	s5 =	simm.s32 @p1 $0x1;
	p0 =	seq.s32 s7, s2  }
0x1e: {  	s7 =	smul.u32 @!p0 $0xF7A, s2;
	p2 =	seq.s32 @!p0 s5, $0x0  }
0x1f: {  	s9 =	smul.u32 $0xF7A, s1;
	s8 =	simm.s32 @!p0 $0x1BF5;
	p2 =	por !p2, p0  }
0x20: {  	[sflag:s8] =	ssyncset.s32 @!p0 $0xFFFFF086;
	s6 =	sadd.s32 @!p0 s3, s7;
	s7 =	simm.s32 @!p0 $0x108  }
0x21: {  	s3 =	sadd.s32 s3, s9;
	s6 =	sadd.s32 @!p0 $0x88, s6;
	s7 =	simm.s32 @p2 $0x1082  }
0x22: {  	[simem:s7], [sflag:s8] =	dma.local @!p0 [hbm:s6], $0xF7A  }
0x23: {  	s9 =	sor.u32 $0xD0000000, s2;
	s6 =	simm.s32 $0x108;
	_ =	swait.ge @!p0 [sflag:s8], $0x0  }
0x24: {  	s3 =	sadd.s32 $0x88, s3;
	s6 =	simm.s32 @!p1 $0x1082;
	[sflag:s4] =	ssyncset.s32 $0xFFFFF086  }
0x25: {  	[simem:s6], [sflag:s4] =	dma.local [hbm:s3], $0xF7A  }
0x26: {  	[smem:$0x3F9E] =	sst s1;
	(tag) =	ssettag s2;
	_ =	strace s9  }
0x27: {  	s1 =	sld [smem:$0x3FAE]  }
0x28: {  	s2 =	sld [smem:$0x3FAF]  }
0x29: {  	s4 =	sld [smem:$0x3FB1]  }
0x2a: {  	p0 =	seq.s32 s5, $0x0;
	s5 =	sld [smem:$0x3FB2]  }
0x2b: {  	s6 =	sld [smem:$0x3FB3]  }
0x2c: {  	s7 =	sld [smem:$0x3FB4]  }
0x2d: {  	s3 =	simm.s32 $0x108;
	s8 =	sld [smem:$0x3FB5]  }
0x2e: {  	s3 =	simm.s32 @!p0 $0x1082;
	s9 =	sld [smem:$0x3FB6]  }
0x2f: {  	lr =	sadd.s32 s0, s3;
	s0 =	sld [smem:$0x3FAD]  }
0x30: {  	s3 =	sld [smem:$0x3FB0]  }
0x31: {  	[smem:$0x3FB9] =	sst s10  }
0x32: {  	s10 =	sld [smem:$0x3FB7];
	_ =	sdelay $0x3  }
0x33: {  	p0 =	seq.s32 s10, $0x1;
	s10 =	sld [smem:$0x3FB9];
	_ =	sdelay $0x3  }
0x34: {  	[smem:$0x3FB9] =	sst s10  }
0x35: {  	s10 =	sld [smem:$0x3FB8];
	_ =	sdelay $0x3  }
0x36: {  	p1 =	seq.s32 s10, $0x1;
	s10 =	sld [smem:$0x3FB9];
	_ =	sdelay $0x3  }
0x37: {  	[smem:$0x3FB9] =	sst s10  }
0x38: {  	s10 =	sld [smem:$0x3FBA]  }
0x39: {  	_ = 	snop;
	(pc) =	sbr.ind lr, $3  }
0x3a: {  	_ = 	snop  }
0x3b: {  	_ = 	snop  }
0x3c: {  	p2 =	seq.s32 s10, $0x1;
	s10 =	sld [smem:$0x3FB9]  }
0x3d: {  	_ =	shalt  }
0x3e: {  	_ =	shalt  }
0x3f: {  	_ =	shalt  }
0x40: {  	_ =	shalt  }
0x41: {  	_ =	shalt  }
0x42: {  	_ =	shalt  }
0x43: {  	_ =	shalt  }
0x44: {  	_ =	shalt  }
0x45: {  	_ =	shalt  }
0x46: {  	_ =	shalt  }
0x47: {  	_ =	shalt  }
0x48: {  	_ =	shalt  }
0x49: {  	_ =	shalt  }
0x4a: {  	_ =	shalt  }
0x4b: {  	_ =	shalt  }
0x4c: {  	_ =	shalt  }
0x4d: {  	_ =	shalt  }
0x4e: {  	_ =	shalt  }
0x4f: {  	_ =	shalt  }
0x50: {  	_ =	shalt  }
0x51: {  	_ =	shalt  }
0x52: {  	_ =	shalt  }
0x53: {  	_ =	shalt  }
0x54: {  	_ =	shalt  }
0x55: {  	_ =	shalt  }
0x56: {  	_ =	shalt  }
0x57: {  	_ =	shalt  }
0x58: {  	_ =	shalt  }
0x59: {  	_ =	shalt  }
0x5a: {  	_ =	shalt  }
0x5b: {  	_ =	shalt  }
0x5c: {  	_ =	shalt  }
0x5d: {  	_ =	shalt  }
0x5e: {  	_ =	shalt  }
0x5f: {  	_ =	shalt  }
0x60: {  	_ =	shalt  }
0x61: {  	_ =	shalt  }
0x62: {  	_ =	shalt  }
0x63: {  	_ =	shalt  }
0x64: {  	_ =	shalt  }
0x65: {  	_ =	shalt  }
0x66: {  	_ =	shalt  }
0x67: {  	_ =	shalt  }
0x68: {  	_ =	shalt  }
0x69: {  	_ =	shalt  }
0x6a: {  	_ =	shalt  }
0x6b: {  	_ =	shalt  }
0x6c: {  	_ =	shalt  }
0x6d: {  	_ =	shalt  }
0x6e: {  	_ =	shalt  }
0x6f: {  	_ =	shalt  }
0x70: {  	_ =	shalt  }
0x71: {  	_ =	shalt  }
0x72: {  	_ =	shalt  }
0x73: {  	_ =	shalt  }
0x74: {  	_ =	shalt  }
0x75: {  	_ =	shalt  }
0x76: {  	_ =	shalt  }
0x77: {  	_ =	shalt  }
0x78: {  	_ =	shalt  }
0x79: {  	_ =	shalt  }
0x7a: {  	_ =	shalt  }
0x7b: {  	_ =	shalt  }
0x7c: {  	_ =	shalt  }
0x7d: {  	_ =	shalt  }
0x7e: {  	_ =	shalt  }
0x7f: {  	_ =	shalt  }
0x80: {  	_ =	shalt  }
0x81: {  	_ =	shalt  }
0x82: {  	_ =	shalt  }
0x83: {  	_ =	shalt  }
0x84: {  	_ =	shalt  }
0x85: {  	_ =	shalt  }
0x86: {  	_ =	shalt  }
0x87: {  	_ =	shalt  }
.Lfunc_end0:
.L_simem_size_0:
called_computation_lowered:
.L_overlay_start_0:
0x88: {  	s2 =	sld [smem:$0x3FD9]  }
0x89: {  	s3 =	sld [smem:$0x3FFE];
	_ =	sdelay $0x1  }
0x8a: {  	s1 =	srdreg.scid  }
0x8b: {  	s0 =	sand.u32 $0x1, s1  }
0x8c: {  	s17 =	sshll.u32 s0, $0xA;
	s2 =	sadd.s32 s3, s2  }
0x8d: {  	s2 =	sadd.s32 s2, s17  }
0x8e: {  	[smem:$0x3FC5] =	sst s2  }
0x8f: {  	_ = 	snop  }
0x90: {  	s2 =	sld [smem:$0x3FC8]  }
0x91: {  	s18 =	sld [smem:$0x3FC7]  }
0x92: {  	s4 =	sld [smem:$0x3FD0];
	(tm) =	ssettm $0x1  }
0x93: {  	s5 =	sld [smem:$0x3FFB];
	_ =	sdelay $0x3  }
0x94: {  	_ =	strace s5  }
0x95: {  	s5 =	sld [smem:$0x3FFC];
	_ =	sdelay $0x3  }
0x96: {  	_ =	strace s5  }
0x97: {  	s5 =	sld [smem:$0x3FFD];
	_ =	sdelay $0x3  }
0x98: {  	_ =	strace s5  }
0x99: {  	_ =	strace $0x8FFFFFFF  }
0x9a: {  	s19 =	sld [smem:$0x3FDB];
	_ =	sdelay $0x1  }
0x9b: {  	s6 =	simm.s32 $_scs_section_size  }
0x9c: {  	s7 =	simm.s32 $_size__tile_overlayer_lowered;
	s8 =	simm.s32 $_tile_overlayer_lowered  }
0x9d: {  	s22 =	simm.s32 $0x1BFF;
	s21 =	sshll.u32 s8, $0x1;
	s5 =	sadd.s32 s6, s19  }
0x9e: {  	s9 =	simm.s32 $0x0;
	s20 =	sshll.u32 s7, $0x1;
	s7 =	sadd.s32 s21, s5  }
0x9f: {  	[timem:s9], [sflag:s22] =	dma.local [hbm:s7], s20  }
0xa0: {  	_ =	swait.ge [sflag:s22], s20  }
0xa1: {  	s6 =	ssub.s32 $0x0, s20;
	[sflag:s22] =	ssyncset.done $0x0  }
0xa2: {  	[sflag:s22] =	ssyncadd.s32 s6;
	_ =	sdelay $0x1  }
0xa3: {  	s23 =	simm.s32 $0x1B8B  }
0xa4: {  	_ =	swait.ge [sflag:s23], $0x1  }
0xa5: {  	[sflag:s23] =	ssyncset.done $0x0  }
0xa6: {  	s25 =	simm.s32 $0x1B8E;
	s24 =	sld [smem:$0x3FFE];
	[sflag:s23] =	ssyncadd.s32 $0xFFFFFFFF  }
0xa7: {  	s26 =	simm.s32 $execute0_lowered;
	[smem:$0x3FD2] =	sst s25  }
0xa8: {  	s7 =	sshll.u32 s26, $0x1;
	_ =	strace $0x80000046;
	[dreg:$0x1] =	wrdreg $0xFFFFFFFF  }
0xa9: {  	s28 =	simm.s32 $_size_execute0_lowered;
	s5 =	sadd.s32 s5, s7;
	[dreg:$0x0] =	wrdreg $0x0  }
0xaa: {  	s7 =	sshll.u32 s28, $0x1;
	[dreg:$0x2] =	wrdreg s5  }
0xab: {  	[dreg:$0x3] =	wrdreg s7  }
0xac: {  	[dreg:$0x4] =	wrdreg $0xC0  }
0xad: {  	_ =	task [dreg:s9], $0x5FFFF  }
0xae: {  	[dreg:$0x1] =	wrdreg $0xFFFFFFFF  }
0xaf: {  	[dreg:$0x0] =	wrdreg $0x60  }
0xb0: {  	[dreg:$0x2] =	wrdreg s24  }
0xb1: {  	[dreg:$0x3] =	wrdreg s2  }
0xb2: {  	[dreg:$0x4] =	wrdreg s18  }
0xb3: {  	[dreg:$0x5] =	wrdreg s4  }
0xb4: {  	[dreg:$0x6] =	wrdreg $0x9  }
0xb5: {  	_ =	task.clear_ibuf [dreg:s9], $0x7FFFF;
	_ =	strace $0x90000046  }
0xb6: {  	s29 =	simm.s32 $0x9;
	_ =	strace $0x80000048  }
0xb7: {  	_ =	swait.ge [sflag:s29], $0x1  }
0xb8: {  	[sflag:s29] =	ssyncadd.s32 $0xFFFFFFFF  }
0xb9: {  	_ =	strace $0x90000048  }
0xba: {  	_ =	sfence  }
0xbb: {  	s30 =	sld [smem:$0x0];
	_ =	sdelay $0x2  }
0xbc: {  	s31 =	sshll.u32 s1, $0xD;
	s1 =	sshrl.u32 s1, $0x2  }
0xbd: {  	s3 =	sand.u32 $0x4000, s31;
	s1 =	sadd.s32 s1, s30  }
0xbe: {  	s0 =	sor.u32 s3, s0;
	s1 =	sshll.u32 s1, $0x11  }
0xbf: {  	s0 =	sor.u32 s1, s0  }
0xc0: {  	s0 =	sadd.s32 $0x8F2B, s0  }
0xc1: {  	[sflag:s0] =	ssyncadd.remote.s32 $0x1  }
0xc2: {  	_ =	sfence.sel $0xFFFF  }
0xc3: {  	[dreg:$0x0] =	wrdreg $0xFFFFFFFF;
	(pc) =	sbr.abs _section_cstart, $3  }
0xc4: {  	[dreg:$0x1] =	wrdreg $0xFFFFFFFF  }
0xc5: {  	_ =	task.clear_ibuf [dreg:s9], $0x2FFFF;
	_ =	strace $0x9FFFFFFF  }
0xc6: {  	(tm) =	ssettm $0x7FFFFFFF  }
0xc7: {  	_ =	shalt  }
tec
execute0_lowered:
.L_overlay_start_1:
0x0: {  	(tag) =	ssettag $0x1  }
0x1: {  	s0 =	rddreg [dreg:$0x0]  }
0x2: {  	s3 =	rddreg [dreg:$0x3]  }
0x3: {  	s1 =	srdreg.scid;
	s4 =	simm.s32 $0x0;
	s6 =	stileid.u32  }
0x4: {  	s16 =	simm.s32 $0x80;
	s17 =	simm.s32 $0x400;
	s18 =	simm.s32 $0x3200  }
0x5: {  	s19 =	simm.s32 $0x6400;
	s20 =	simm.s32 $0x9600;
	s21 =	simm.s32 $0xC800  }
0x6: {  	s22 =	simm.s32 $0xFA00;
	s23 =	simm.s32 $0x12C00;
	s24 =	simm.s32 $0x15E00  }
0x7: {  	s25 =	simm.s32 $0x3;
	s28 =	simm.s32 $0x1C700;
	s29 =	simm.s32 $0x1D700  }
0x8: {  	s30 =	simm.s32 $0x1;
	s31 =	simm.s32 $0x2;
	s5 =	sand.u32 $0x1, s1  }
.Ltmp0:
0x9: {  	[smem:$0x7FF] =	sst s4;
	s1 =	ssub.s32 $0x2, s5;
	(pc) =	sbr.rel .LBB2_1-.Ltmp0, $4  }
0xa: {  	s7 =	sadd.s32 $0x400, s0;
	s8 =	sshll.u32 s6, $0x1;
	s2 =	sshrl.u32 s1, $0x1  }
0xb: {  	s9 =	sadd.s32 $0x800, s3;
	s10 =	sadd.s32 $0x1000, s3;
	s26 =	ssub.s32 s1, s2  }
0xc: {  	v0 =	vlaneseq.u32;
	s11 =	sadd.s32 $0x1800, s3;
	_ =	strace $0x80000047;
	s0 =	smax.u32 s26, $0x1  }
0xd: {  	v1 =	vor.u32 $0x10, v0;
	v2 =	vor.u32 $0x20, v0;
	v3 =	vor.u32 $0x30, v0;
	s26 =	simm.s32 $0x200;
	[dreg:$0x5] =	wrdreg s0;
	s0 =	simm.s32 $0x0  }
.LBB2_13:
0xe: {  	s0 =	sadd.s32 $0x1, s0;
	s1 =	rddreg [dreg:$0x5]  }
0xf: {  	p0 =	sne.s32 s0, s1  }
.Ltmp1:
0x10: {  	_ = 	snop;
	(pc) =	sbr.rel @!p0 .LBB2_14-.Ltmp1, $1  }
0x11: {  	_ =	sdelay $0x3  }
.LBB2_1:
0x12: {  	s1 =	rddreg [dreg:$0x1];
	s2 =	simm.s32 $0x18700;
	s14 =	simm.s32 $0x4  }
0x13: {  	[tilespmem:s2], [sflag:$0x4] =	stream.linear.gather [hbm4b:s1+s4], $0x4000, $0x38;
	[tilespmem:$0x1E780] =	vst v63  }
0x14: {  	_ =	swait.ge [sflag:s14], $0x4000  }
0x15: {  	[sflag:s14] =	ssyncset.done $0x0  }
0x16: {  	[sflag:s14] =	ssyncadd.s32 $0xFFFFC000  }
.Ltmp2:
0x17: {  	s6 =	simm.s32 $0x1E700;
	s15 =	rddreg [dreg:$0x2];
	(pc) =	sbr.rel .LBB2_2-.Ltmp2, $4  }
0x18: {  	[tilespmem:s6], [sflag:$0x4] =	stream.linear.gather [hbm4b:s15+s4], $0x80, $0x38;
	[tilespmem:$0x1E780] =	vst v63  }
0x19: {  	_ =	swait.ge [sflag:s14], $0x80  }
0x1a: {  	[sflag:s14] =	ssyncset.done $0x0  }
0x1b: {  	s6 =	simm.s32 $0x0;
	[sflag:s14] =	ssyncadd.s32 $0xFFFFFF80  }
.LBB2_12:
0x1c: {  	s6 =	sadd.s32 $0x1, s6  }
0x1d: {  	p0 =	sne.s32 s6, $0x7  }
.Ltmp3:
0x1e: {  	_ = 	snop;
	(pc) =	sbr.rel @!p0 .LBB2_13-.Ltmp3, $1  }
0x1f: {  	_ =	sdelay $0x3  }
.LBB2_2:
0x20: {  	s1 =	sshll.u32 s6, $0x5  }
0x21: {  	s2 =	sor.u32 s8, s1  }
0x22: {  	p0 =	sgt.u32 s2, $0xC7  }
.Ltmp4:
0x23: {  	_ = 	snop;
	(pc) =	sbr.rel @p0 .LBB2_12-.Ltmp4, $1  }
0x24: {  	_ =	sdelay $0x3  }
0x25: {  	s1 =	smul.u32 $0x29, s2;
	_ =	sdelay $0x1  }
0x26: {  	s1 =	sshrl.u32 s1, $0xB  }
0x27: {  	s1 =	sand.u32 $0x1F, s1  }
0x28: {  	v4 =	vld [tilespmem:$0x1E700];
	s12 =	smul.u32 $0xFFFFFFCE, s1  }
0x29: {  	s14 =	sor.u32 s5, s2;
	v5 =	vld [tilespmem:$0x1E710]  }
0x2a: {  	v6 =	vld [tilespmem:$0x1E720];
	s2 =	sadd.s32 s14, s12  }
0x2b: {  	v8 =	vld [tilespmem:$0x1E730];
	v7 =	vmov s2  }
0x2c: {  	vm0 =	veq.s32 v7, v0  }
0x2d: {  	vm13 =	veq.s32 v7, v1;
	v4 =	vnsel vm0, $0x0, v4  }
0x2e: {  	vm14 =	veq.s32 v7, v2;
	v4 =	vsel vm13, v5, v4  }
0x2f: {  	vm15 =	veq.s32 v7, v3;
	v4 =	vsel vm14, v6, v4  }
0x30: {  	v4 =	vsel vm15, v8, v4  }
0x31: {  	v4 =	vxor.u32 $0x80000000, v4  }
0x32: {  	(xrf0) =	vmax.scan.msk.u32 $0xffff, v4;
	_ =	sdelay $0x5  }
0x33: {  	v4, _, _ =	vpop (xrf0)  }
0x34: {  	(v2sf) =	vpush v4, $0xF;
	_ =	sdelay $0xe  }
0x35: {  	s13 =	sshll.u32 s1, $0x6;
	s15 =	spop (v2sf)  }
0x36: {  	s13 =	sadd.s32 s13, s15  }
0x37: {  	s13 =	sshrl.u32 s13, $0x3  }
0x38: {  	s12 =	sshll.u32 s15, $0x7;
	s13 =	smul.u32 $0xC3800, s13  }
0x39: {  	s12 =	sand.u32 $0x380, s12  }
0x3a: {  	s12 =	sor.u32 s12, s13  }
0x3b: {  	s13 =	sshrl.u32 s12, $0x3  }
0x3c: {  	s14 =	sadd.s32 $0x19000, s12;
	s13 =	sadd.s32 s7, s13  }
0x3d: {  	[tilespmem:s4], [sflag:$0x3] =	stream.strided.gather [hbm4b:s13+s16], $0x3200, s17, s16, $0x38;
	[tilespmem:$0x1E780] =	vst v63  }
0x3e: {  	s13 =	sshrl.u32 s14, $0x3  }
0x3f: {  	s15 =	sadd.s32 $0x32000, s12;
	s13 =	sadd.s32 s7, s13  }
0x40: {  	[tilespmem:s18], [sflag:$0x3] =	stream.strided.gather [hbm4b:s13+s16], $0x3200, s17, s16, $0x38;
	[tilespmem:$0x1E780] =	vst v63  }
0x41: {  	s13 =	sshrl.u32 s15, $0x3  }
0x42: {  	s14 =	sadd.s32 $0x4B000, s12;
	s13 =	sadd.s32 s7, s13  }
0x43: {  	[tilespmem:s19], [sflag:$0x3] =	stream.strided.gather [hbm4b:s13+s16], $0x3200, s17, s16, $0x38;
	[tilespmem:$0x1E780] =	vst v63  }
0x44: {  	s13 =	sshrl.u32 s14, $0x3  }
0x45: {  	s15 =	sadd.s32 $0x64000, s12;
	s13 =	sadd.s32 s7, s13  }
0x46: {  	[tilespmem:s20], [sflag:$0x3] =	stream.strided.gather [hbm4b:s13+s16], $0x3200, s17, s16, $0x38;
	[tilespmem:$0x1E780] =	vst v63  }
0x47: {  	s13 =	sshrl.u32 s15, $0x3  }
0x48: {  	s14 =	sadd.s32 $0x7D000, s12;
	s13 =	sadd.s32 s7, s13  }
0x49: {  	[tilespmem:s21], [sflag:$0x3] =	stream.strided.gather [hbm4b:s13+s16], $0x3200, s17, s16, $0x38;
	[tilespmem:$0x1E780] =	vst v63  }
0x4a: {  	s13 =	sshrl.u32 s14, $0x3  }
0x4b: {  	s15 =	sadd.s32 $0x96000, s12;
	s13 =	sadd.s32 s7, s13  }
0x4c: {  	[tilespmem:s22], [sflag:$0x3] =	stream.strided.gather [hbm4b:s13+s16], $0x3200, s17, s16, $0x38;
	[tilespmem:$0x1E780] =	vst v63  }
0x4d: {  	s12 =	sadd.s32 $0xAF000, s12;
	s13 =	sshrl.u32 s15, $0x3  }
0x4e: {  	s12 =	sshrl.u32 s12, $0x3;
	s13 =	sadd.s32 s7, s13  }
0x4f: {  	[tilespmem:s23], [sflag:$0x3] =	stream.strided.gather [hbm4b:s13+s16], $0x3200, s17, s16, $0x38;
	[tilespmem:$0x1E780] =	vst v63  }
0x50: {  	s12 =	sadd.s32 s7, s12  }
0x51: {  	[tilespmem:s24], [sflag:$0x3] =	stream.strided.gather [hbm4b:s12+s16], $0x2900, s17, s16, $0x38;
	[tilespmem:$0x1E780] =	vst v63  }
0x52: {  	_ =	swait.ge [sflag:s25], $0x3200  }
0x53: {  	[sflag:s25] =	ssyncset.done $0x0  }
0x54: {  	[sflag:s25] =	ssyncadd.s32 $0xFFFFCE00  }
0x55: {  	_ =	swait.ge [sflag:s25], $0x3200  }
0x56: {  	[sflag:s25] =	ssyncset.done $0x0  }
0x57: {  	[sflag:s25] =	ssyncadd.s32 $0xFFFFCE00  }
0x58: {  	_ =	swait.ge [sflag:s25], $0x3200  }
0x59: {  	[sflag:s25] =	ssyncset.done $0x0  }
0x5a: {  	[sflag:s25] =	ssyncadd.s32 $0xFFFFCE00  }
0x5b: {  	_ =	swait.ge [sflag:s25], $0x3200  }
0x5c: {  	[sflag:s25] =	ssyncset.done $0x0  }
0x5d: {  	[sflag:s25] =	ssyncadd.s32 $0xFFFFCE00  }
0x5e: {  	_ =	swait.ge [sflag:s25], $0x3200  }
0x5f: {  	[sflag:s25] =	ssyncset.done $0x0  }
0x60: {  	[sflag:s25] =	ssyncadd.s32 $0xFFFFCE00  }
0x61: {  	_ =	swait.ge [sflag:s25], $0x3200  }
0x62: {  	[sflag:s25] =	ssyncset.done $0x0  }
0x63: {  	[sflag:s25] =	ssyncadd.s32 $0xFFFFCE00  }
0x64: {  	_ =	swait.ge [sflag:s25], $0x3200  }
0x65: {  	[sflag:s25] =	ssyncset.done $0x0  }
0x66: {  	[sflag:s25] =	ssyncadd.s32 $0xFFFFCE00  }
0x67: {  	_ =	swait.ge [sflag:s25], $0x2900  }
0x68: {  	[sflag:s25] =	ssyncset.done $0x0  }
0x69: {  	s14 =	simm.s32 $0x18720;
	[sflag:s25] =	ssyncadd.s32 $0xFFFFD700  }
0x6a: {  	v4 =	vld [tilespmem:s14+$0x10];
	_ =	sdelay $0x1  }
0x6b: {  	v6 =	vld [tilespmem:s14+$0xFFFFFFE0]  }
0x6c: {  	v7 =	vld [tilespmem:s14+$0xFFFFFFF0]  }
0x6d: {  	s15 =	simm.s32 $0x18760;
	v8 =	vld [tilespmem:s14+$0x0]  }
0x6e: {  	v11 =	vld [tilespmem:s15+$0x10]  }
0x6f: {  	v5 =	vld [tilespmem:s15+$0xFFFFFFF0]  }
0x70: {  	v10 =	vld [tilespmem:s15+$0xFFFFFFE0]  }
0x71: {  	v12 =	vld.idx.msk [tilespmem:v4+s4+$0x0], $0xffff  }
0x72: {  	v4 =	vld [tilespmem:s15+$0x0]  }
0x73: {  	v9 =	vld.idx.msk [tilespmem:v6+s4+$0x0], $0xffff  }
0x74: {  	v7 =	vld.idx.msk [tilespmem:v7+s4+$0x0], $0xffff  }
0x75: {  	s13 =	simm.s32 $0x1C720;
	v8 =	vld.idx.msk [tilespmem:v8+s4+$0x0], $0xffff  }
0x76: {  	s12 =	simm.s32 $0x187A0;
	s15 =	simm.s32 $0x4;
	v6 =	vld.idx.msk [tilespmem:v11+s4+$0x0], $0xffff;
	[tilespmem:s13+$0x10] =	vst v12  }
.LBB2_4:
0x77: {  	v11 =	vld [tilespmem:s12+$0x10];
	s15 =	sadd.s32 $0x4, s15  }
0x78: {  	v12 =	vld [tilespmem:s12+$0xFFFFFFF0];
	p0 =	slt.u32 s15, $0xFC;
	[tilespmem:s13+$0xFFFFFFE0] =	vst v9  }
0x79: {  	v13 =	vld [tilespmem:s12+$0x0];
	[tilespmem:s13+$0xFFFFFFF0] =	vst v7  }
0x7a: {  	v14 =	vld [tilespmem:s12+$0xFFFFFFE0];
	[tilespmem:s13+$0x0] =	vst v8  }
.Ltmp5:
0x7b: {  	s13 =	sadd.s32 $0x40, s13;
	v9 =	vld.idx.msk [tilespmem:v10+s4+$0x0], $0xffff;
	(pc) =	sbr.rel @p0 .LBB2_4-.Ltmp5, $4  }
0x7c: {  	v7 =	vld.idx.msk [tilespmem:v5+s4+$0x0], $0xffff;
	[tilespmem:s13+$0x10] =	vst v6  }
0x7d: {  	v8 =	vld.idx.msk [tilespmem:v4+s4+$0x0], $0xffff;
	v5 =	vmov v12  }
0x7e: {  	v4 =	vmov v13  }
0x7f: {  	s12 =	sadd.s32 $0x40, s12;
	v6 =	vld.idx.msk [tilespmem:v11+s4+$0x0], $0xffff;
	v10 =	vmov v14  }
0x80: {  	_ =	sdelay $0x3  }
0x81: {  	v10 =	vld.idx.msk [tilespmem:v10+s4+$0x0], $0xffff  }
0x82: {  	[tilespmem:s13+$0xFFFFFFE0] =	vst v9;
	v5 =	vld.idx.msk [tilespmem:v5+s4+$0x0], $0xffff  }
0x83: {  	v4 =	vld.idx.msk [tilespmem:v4+s4+$0x0], $0xffff;
	[tilespmem:s13+$0xFFFFFFF0] =	vst v7  }
0x84: {  	s12 =	sadd.s32 $0x40, s13;
	s1 =	sshll.u32 s1, $0x7;
	[tilespmem:s13+$0x0] =	vst v8  }
0x85: {  	s2 =	sshll.u32 s2, $0x10;
	s1 =	sand.u32 $0x180, s1;
	[tilespmem:s12+$0x10] =	vst v6  }
0x86: {  	s1 =	sor.u32 s1, s2;
	[tilespmem:s12+$0xFFFFFFE0] =	vst v10  }
0x87: {  	s1 =	sshrl.u32 s1, $0x3;
	[tilespmem:s12+$0xFFFFFFF0] =	vst v5  }
0x88: {  	s13 =	simm.s32 $0x19730;
	s15 =	sadd.s32 s3, s1;
	[tilespmem:s12+$0x0] =	vst v4;
	s12 =	simm.s32 $0x0  }
0x89: {  	[hbm4b:s15+s16] =	stream.strided.scatter [tilespmem:s28], [sflag:$0x1], $0x1000, s26, s16, $0x38;
	[tilespmem:$0x1E780] =	vst v63  }
0x8a: {  	s2 =	sand.u32 $0xFC0, s12;
	v5 =	vld [tilespmem:s13+$0xFFFFFFE0]  }
0x8b: {  	v6 =	vld [tilespmem:s2+$0x19700]  }
0x8c: {  	v8 =	vld [tilespmem:s13+$0xFFFFFFF0]  }
0x8d: {  	v12 =	vld [tilespmem:s13+$0x0]  }
0x8e: {  	s14 =	simm.s32 $0x19770  }
0x8f: {  	v9 =	vld [tilespmem:s14+$0xFFFFFFE0];
	s13 =	simm.s32 $0x40  }
0x90: {  	v4 =	vld [tilespmem:s14+$0xFFFFFFF0];
	s15 =	sand.u32 $0xFC0, s13  }
0x91: {  	v7 =	vld [tilespmem:s15+$0x19700]  }
0x92: {  	v5 =	vld.idx.msk [tilespmem:v5+s4+$0x0], $0xffff  }
0x93: {  	v11 =	vld.idx.msk [tilespmem:v6+s4+$0x0], $0xffff  }
0x94: {  	v10 =	vld.idx.msk [tilespmem:v8+s4+$0x0], $0xffff  }
0x95: {  	v8 =	vld.idx.msk [tilespmem:v12+s4+$0x0], $0xffff  }
0x96: {  	v6 =	vld [tilespmem:s14+$0x0]  }
0x97: {  	s12 =	simm.s32 $0x197B0;
	s2 =	simm.s32 $0x1D720;
	s15 =	simm.s32 $0x4  }
.LBB2_6:
0x98: {  	v12 =	vld [tilespmem:s12+$0xFFFFFFE0];
	[tilespmem:s2+$0xFFFFFFE0] =	vst v11  }
0x99: {  	v13 =	vld [tilespmem:s12+$0xFFFFFFF0];
	[tilespmem:s2+$0xFFFFFFF0] =	vst v5  }
0x9a: {  	s13 =	sadd.s32 $0x40, s13;
	s15 =	sadd.s32 $0x4, s15;
	v5 =	vld.idx.msk [tilespmem:v9+s4+$0x0], $0xffff;
	[tilespmem:s2+$0x0] =	vst v10  }
0x9b: {  	s14 =	sand.u32 $0xFC0, s13;
	p0 =	slt.u32 s15, $0xFC;
	v11 =	vld.idx.msk [tilespmem:v7+s4+$0x0], $0xffff;
	[tilespmem:s2+$0x10] =	vst v8  }
.Ltmp6:
0x9c: {  	v7 =	vld [tilespmem:s14+$0x19700];
	(pc) =	sbr.rel @p0 .LBB2_6-.Ltmp6, $4  }
0x9d: {  	v10 =	vld.idx.msk [tilespmem:v4+s4+$0x0], $0xffff;
	v9 =	vmov v12  }
0x9e: {  	v8 =	vld.idx.msk [tilespmem:v6+s4+$0x0], $0xffff;
	v4 =	vmov v13  }
0x9f: {  	v6 =	vld [tilespmem:s12+$0x0]  }
0xa0: {  	s2 =	sadd.s32 $0x40, s2;
	s12 =	sadd.s32 $0x40, s12  }
0xa1: {  	_ =	sdelay $0x3  }
0xa2: {  	v7 =	vld.idx.msk [tilespmem:v7+s4+$0x0], $0xffff  }
0xa3: {  	[tilespmem:s2+$0xFFFFFFE0] =	vst v11;
	v9 =	vld.idx.msk [tilespmem:v9+s4+$0x0], $0xffff  }
0xa4: {  	[tilespmem:s2+$0xFFFFFFF0] =	vst v5;
	v4 =	vld.idx.msk [tilespmem:v4+s4+$0x0], $0xffff  }
0xa5: {  	[tilespmem:s2+$0x0] =	vst v10;
	v5 =	vld.idx.msk [tilespmem:v6+s4+$0x0], $0xffff  }
0xa6: {  	s15 =	sadd.s32 $0x40, s2;
	[tilespmem:s2+$0x10] =	vst v8  }
0xa7: {  	[tilespmem:s15+$0xFFFFFFE0] =	vst v7  }
0xa8: {  	[tilespmem:s15+$0xFFFFFFF0] =	vst v9  }
0xa9: {  	[tilespmem:s15+$0x0] =	vst v4  }
0xaa: {  	s12 =	sadd.s32 s1, s9;
	[tilespmem:s15+$0x10] =	vst v5  }
0xab: {  	[hbm4b:s12+s16] =	stream.strided.scatter [tilespmem:s29], [sflag:$0x2], $0x1000, s26, s16, $0x38;
	[tilespmem:$0x1E780] =	vst v63  }
0xac: {  	_ =	swait.ge [sflag:s30], $0x1000  }
0xad: {  	[sflag:s30] =	ssyncset.done $0x0  }
0xae: {  	s13 =	simm.s32 $0x0;
	s12 =	simm.s32 $0x1A730;
	[sflag:s30] =	ssyncadd.s32 $0xFFFFF000  }
0xaf: {  	s2 =	sand.u32 $0xFC0, s13;
	v5 =	vld [tilespmem:s12+$0xFFFFFFE0]  }
0xb0: {  	v6 =	vld [tilespmem:s2+$0x1A700]  }
0xb1: {  	v8 =	vld [tilespmem:s12+$0xFFFFFFF0]  }
0xb2: {  	v12 =	vld [tilespmem:s12+$0x0]  }
0xb3: {  	s14 =	simm.s32 $0x1A770  }
0xb4: {  	s13 =	simm.s32 $0x40;
	v9 =	vld [tilespmem:s14+$0xFFFFFFE0]  }
0xb5: {  	s15 =	sand.u32 $0xFC0, s13;
	v4 =	vld [tilespmem:s14+$0xFFFFFFF0]  }
0xb6: {  	v7 =	vld [tilespmem:s15+$0x1A700]  }
0xb7: {  	v5 =	vld.idx.msk [tilespmem:v5+s4+$0x0], $0xffff  }
0xb8: {  	v11 =	vld.idx.msk [tilespmem:v6+s4+$0x0], $0xffff  }
0xb9: {  	v10 =	vld.idx.msk [tilespmem:v8+s4+$0x0], $0xffff  }
0xba: {  	v8 =	vld.idx.msk [tilespmem:v12+s4+$0x0], $0xffff  }
0xbb: {  	v6 =	vld [tilespmem:s14+$0x0]  }
0xbc: {  	s2 =	simm.s32 $0x1C720;
	s15 =	simm.s32 $0x4;
	s12 =	simm.s32 $0x1A7B0  }
.LBB2_8:
0xbd: {  	v12 =	vld [tilespmem:s12+$0xFFFFFFE0];
	[tilespmem:s2+$0xFFFFFFE0] =	vst v11  }
0xbe: {  	v13 =	vld [tilespmem:s12+$0xFFFFFFF0];
	[tilespmem:s2+$0xFFFFFFF0] =	vst v5  }
0xbf: {  	s13 =	sadd.s32 $0x40, s13;
	s15 =	sadd.s32 $0x4, s15;
	v5 =	vld.idx.msk [tilespmem:v9+s4+$0x0], $0xffff;
	[tilespmem:s2+$0x0] =	vst v10  }
0xc0: {  	s14 =	sand.u32 $0xFC0, s13;
	p0 =	slt.u32 s15, $0xFC;
	v11 =	vld.idx.msk [tilespmem:v7+s4+$0x0], $0xffff;
	[tilespmem:s2+$0x10] =	vst v8  }
.Ltmp7:
0xc1: {  	v7 =	vld [tilespmem:s14+$0x1A700];
	(pc) =	sbr.rel @p0 .LBB2_8-.Ltmp7, $4  }
0xc2: {  	v10 =	vld.idx.msk [tilespmem:v4+s4+$0x0], $0xffff;
	v9 =	vmov v12  }
0xc3: {  	v8 =	vld.idx.msk [tilespmem:v6+s4+$0x0], $0xffff;
	v4 =	vmov v13  }
0xc4: {  	v6 =	vld [tilespmem:s12+$0x0]  }
0xc5: {  	s2 =	sadd.s32 $0x40, s2;
	s12 =	sadd.s32 $0x40, s12  }
0xc6: {  	_ =	sdelay $0x3  }
0xc7: {  	v7 =	vld.idx.msk [tilespmem:v7+s4+$0x0], $0xffff  }
0xc8: {  	[tilespmem:s2+$0xFFFFFFE0] =	vst v11;
	v9 =	vld.idx.msk [tilespmem:v9+s4+$0x0], $0xffff  }
0xc9: {  	[tilespmem:s2+$0xFFFFFFF0] =	vst v5;
	v4 =	vld.idx.msk [tilespmem:v4+s4+$0x0], $0xffff  }
0xca: {  	[tilespmem:s2+$0x0] =	vst v10;
	v5 =	vld.idx.msk [tilespmem:v6+s4+$0x0], $0xffff  }
0xcb: {  	s15 =	sadd.s32 $0x40, s2;
	[tilespmem:s2+$0x10] =	vst v8  }
0xcc: {  	[tilespmem:s15+$0xFFFFFFE0] =	vst v7  }
0xcd: {  	[tilespmem:s15+$0xFFFFFFF0] =	vst v9  }
0xce: {  	[tilespmem:s15+$0x0] =	vst v4  }
0xcf: {  	s12 =	sadd.s32 s1, s10;
	[tilespmem:s15+$0x10] =	vst v5  }
0xd0: {  	[hbm4b:s12+s16] =	stream.strided.scatter [tilespmem:s28], [sflag:$0x1], $0x1000, s26, s16, $0x38;
	[tilespmem:$0x1E780] =	vst v63  }
0xd1: {  	_ =	swait.ge [sflag:s31], $0x1000  }
0xd2: {  	[sflag:s31] =	ssyncset.done $0x0  }
0xd3: {  	s13 =	simm.s32 $0x0;
	s12 =	simm.s32 $0x1B730;
	[sflag:s31] =	ssyncadd.s32 $0xFFFFF000  }
0xd4: {  	s2 =	sand.u32 $0xFC0, s13;
	v5 =	vld [tilespmem:s12+$0xFFFFFFE0]  }
0xd5: {  	v6 =	vld [tilespmem:s2+$0x1B700]  }
0xd6: {  	v8 =	vld [tilespmem:s12+$0xFFFFFFF0]  }
0xd7: {  	v12 =	vld [tilespmem:s12+$0x0]  }
0xd8: {  	s14 =	simm.s32 $0x1B770  }
0xd9: {  	s13 =	simm.s32 $0x40;
	v9 =	vld [tilespmem:s14+$0xFFFFFFE0]  }
0xda: {  	s15 =	sand.u32 $0xFC0, s13;
	v4 =	vld [tilespmem:s14+$0xFFFFFFF0]  }
0xdb: {  	v7 =	vld [tilespmem:s15+$0x1B700]  }
0xdc: {  	v5 =	vld.idx.msk [tilespmem:v5+s4+$0x0], $0xffff  }
0xdd: {  	v11 =	vld.idx.msk [tilespmem:v6+s4+$0x0], $0xffff  }
0xde: {  	v10 =	vld.idx.msk [tilespmem:v8+s4+$0x0], $0xffff  }
0xdf: {  	v8 =	vld.idx.msk [tilespmem:v12+s4+$0x0], $0xffff  }
0xe0: {  	v6 =	vld [tilespmem:s14+$0x0]  }
0xe1: {  	s2 =	simm.s32 $0x1D720;
	s15 =	simm.s32 $0x4;
	s12 =	simm.s32 $0x1B7B0  }
.LBB2_10:
0xe2: {  	v12 =	vld [tilespmem:s12+$0xFFFFFFE0];
	[tilespmem:s2+$0xFFFFFFE0] =	vst v11  }
0xe3: {  	v13 =	vld [tilespmem:s12+$0xFFFFFFF0];
	[tilespmem:s2+$0xFFFFFFF0] =	vst v5  }
0xe4: {  	s13 =	sadd.s32 $0x40, s13;
	s15 =	sadd.s32 $0x4, s15;
	v5 =	vld.idx.msk [tilespmem:v9+s4+$0x0], $0xffff;
	[tilespmem:s2+$0x0] =	vst v10  }
0xe5: {  	s14 =	sand.u32 $0xFC0, s13;
	p0 =	slt.u32 s15, $0xFC;
	v11 =	vld.idx.msk [tilespmem:v7+s4+$0x0], $0xffff;
	[tilespmem:s2+$0x10] =	vst v8  }
.Ltmp8:
0xe6: {  	v7 =	vld [tilespmem:s14+$0x1B700];
	(pc) =	sbr.rel @p0 .LBB2_10-.Ltmp8, $4  }
0xe7: {  	v10 =	vld.idx.msk [tilespmem:v4+s4+$0x0], $0xffff;
	v9 =	vmov v12  }
0xe8: {  	v8 =	vld.idx.msk [tilespmem:v6+s4+$0x0], $0xffff;
	v4 =	vmov v13  }
0xe9: {  	v6 =	vld [tilespmem:s12+$0x0]  }
0xea: {  	s2 =	sadd.s32 $0x40, s2;
	s12 =	sadd.s32 $0x40, s12  }
0xeb: {  	_ =	sdelay $0x3  }
0xec: {  	v7 =	vld.idx.msk [tilespmem:v7+s4+$0x0], $0xffff  }
0xed: {  	[tilespmem:s2+$0xFFFFFFE0] =	vst v11;
	v9 =	vld.idx.msk [tilespmem:v9+s4+$0x0], $0xffff  }
0xee: {  	[tilespmem:s2+$0xFFFFFFF0] =	vst v5;
	v4 =	vld.idx.msk [tilespmem:v4+s4+$0x0], $0xffff  }
0xef: {  	[tilespmem:s2+$0x0] =	vst v10;
	v5 =	vld.idx.msk [tilespmem:v6+s4+$0x0], $0xffff  }
0xf0: {  	s15 =	sadd.s32 $0x40, s2;
	[tilespmem:s2+$0x10] =	vst v8  }
0xf1: {  	[tilespmem:s15+$0xFFFFFFE0] =	vst v7  }
0xf2: {  	[tilespmem:s15+$0xFFFFFFF0] =	vst v9  }
0xf3: {  	[tilespmem:s15+$0x0] =	vst v4  }
0xf4: {  	s1 =	sadd.s32 s1, s11;
	[tilespmem:s15+$0x10] =	vst v5  }
0xf5: {  	[hbm4b:s1+s16] =	stream.strided.scatter [tilespmem:s29], [sflag:$0x2], $0x1000, s26, s16, $0x38;
	[tilespmem:$0x1E780] =	vst v63  }
0xf6: {  	_ =	swait.ge [sflag:s30], $0x1000  }
.Ltmp9:
0xf7: {  	[sflag:s30] =	ssyncset.done $0x0;
	(pc) =	sbr.rel .LBB2_12-.Ltmp9, $4  }
0xf8: {  	[sflag:s30] =	ssyncadd.s32 $0xFFFFF000  }
0xf9: {  	_ =	swait.ge [sflag:s31], $0x1000  }
0xfa: {  	[sflag:s31] =	ssyncset.done $0x0  }
0xfb: {  	[sflag:s31] =	ssyncadd.s32 $0xFFFFF000  }
.LBB2_14:
0xfc: {  	_ =	sfence.sel $0x180000  }
0xfd: {  	[bflag:$0x0] =	sbarrier.arrive $0xFFFF  }
0xfe: {  	_ =	strace $0x90000047  }
0xff: {  	s0 =	stileid.u32;
	[bflag:$0x2] =	sbarrier.arrive $0xFFFF  }
0x100: {  	p0 =	sne.s32 s0, $0x0;
	s0 =	rddreg [dreg:$0x4]  }
0x101: {  	s0 =	sadd.s32 @!p0 $0x100000, s0  }
0x102: {  	[sflag:s0] =	ssyncadd.tile.s32 @!p0 $0x1;
	_ =	shalt  }
.Lfunc_end2:
_tile_overlayer_lowered:
.L_overlay_start_2:
0x103: {  	(tag) =	ssettag $0x2  }
0x104: {  	s0 =	rddreg [dreg:$0x0];
	s2 =	stileid.u32  }
0x105: {  	s1 =	rddreg [dreg:$0x1];
	p0 =	sne.s32 s2, $0x0  }
0x106: {  	s3 =	rddreg [dreg:$0x2];
	[bflag:$0x3] =	sbarrier.arrive $0xFFFF;
	s2 =	simm.s32 @!p0 $0x1C04  }
0x107: {  	[timem:s3], [sflag:s2] =	dma.local @!p0 [hbm:s0], s1  }
0x108: {  	s0 =	simm.s32 @!p0 $0x4  }
0x109: {  	_ =	swait.ge @!p0 [sflag:s0], s1  }
0x10a: {  	s1 =	ssub.s32 @!p0 $0x0, s1;
	[sflag:s0] =	ssyncset.done @!p0 $0x0  }
0x10b: {  	[sflag:s0] =	ssyncadd.s32 @!p0 s1  }
0x10c: {  	[bflag:$0x3] =	sbarrier.arrive $0xFFFF  }
0x10d: {  	_ =	shalt  }

</sc_bundles>
